<compile_context>
chip_gen: v7x
topology: tpu7x:2x2x1
jax: 0.10.2.dev20260603
libtpu: 0.0.44.dev20260713+nightly
codegen_flags: <defaults>
</compile_context>

<pallas_src>
import functools

import jax
import jax.numpy as jnp
from jax import lax
from jax.experimental import pallas as pl
from jax.experimental.pallas import tpu as pltpu
from jax.experimental.pallas import tpu_sc as plsc

B, L, D_IN = 16, 256, 384
D = 4048
K = 512
N = B * L
BLK = 512
NSTEPS = N // BLK
DC = D // 2

_DOT11 = (((1,), (1,)), ((), ()))
_DOT00 = (((0,), (0,)), ((), ()))


def _main_body(in_hbm, wpre_hbm, bpre_hbm, cbt_hbm, wpostt_hbm, bpost_hbm,
               idx_ref, loss_ref, wq_ref,
               in_s, wpre_s, bpre_s, cbt_s, wpostt_s, bpost_s, csum_s, sems):
    t = pl.program_id(0)

    def cp(src, dst, i):
        return pltpu.make_async_copy(src, dst, sems.at[i])

    @pl.when(t == 0)
    def _start_resident():
        cp(in_hbm.at[pl.ds(0, BLK)], in_s.at[0], 0).start()
        cp(wpre_hbm, wpre_s, 2).start()
        cp(bpre_hbm, bpre_s, 3).start()
        cp(cbt_hbm, cbt_s, 4).start()
        cp(bpost_hbm, bpost_s, 6).start()

    @pl.when(t + 1 < NSTEPS)
    def _prefetch_next():
        cp(in_hbm.at[pl.ds((t + 1) * BLK, BLK)], in_s.at[(t + 1) % 2],
           (t + 1) % 2).start()

    cp(in_hbm.at[pl.ds(t * BLK, BLK)], in_s.at[t % 2], t % 2).wait()

    @pl.when(t == 0)
    def _wait_pre():
        cp(wpre_hbm, wpre_s, 2).wait()
        cp(bpre_hbm, bpre_s, 3).wait()

    x = lax.dot_general(in_s[t % 2], wpre_s[...], _DOT11,
                        preferred_element_type=jnp.float32) + bpre_s[...][None, :]
    a = jnp.sum(x * x, axis=1, keepdims=True)

    @pl.when(t == 0)
    def _init():
        cp(cbt_hbm, cbt_s, 4).wait()
        sq = cbt_s[...] * cbt_s[...]
        ones = jnp.ones((1, D), jnp.float32)
        csum_s[...] = jnp.dot(ones, sq, preferred_element_type=jnp.float32)
        loss_ref[...] = jnp.zeros_like(loss_ref)

    dm = jnp.dot(x, cbt_s[...], preferred_element_type=jnp.float32)
    dist = (a - 2.0 * dm) + csum_s[...]
    neg = -dist
    m = jnp.max(neg, axis=1, keepdims=True)
    ids = lax.broadcasted_iota(jnp.int32, dist.shape, 1)
    idx_ref[...] = jnp.min(jnp.where(neg == m, ids, K), axis=1)
    loss_ref[...] = loss_ref[...] + jnp.sum(-m)

    @pl.when(t == NSTEPS - 2)
    def _start_wpost():
        cp(wpostt_hbm.at[pl.ds(0, DC)], wpostt_s.at[0], 5).start()
        cp(wpostt_hbm.at[pl.ds(DC, DC)], wpostt_s.at[1], 7).start()

    @pl.when(t == NSTEPS - 1)
    def _fin():
        loss_ref[...] = loss_ref[...] * (1.25 / (N * D))
        cp(wpostt_hbm.at[pl.ds(0, DC)], wpostt_s.at[0], 5).wait()
        cp(wpostt_hbm.at[pl.ds(DC, DC)], wpostt_s.at[1], 7).wait()
        cp(bpost_hbm, bpost_s, 6).wait()
        wq_ref[...] = (lax.dot_general(cbt_s[pl.ds(0, DC), :], wpostt_s[0],
                                       _DOT00, preferred_element_type=jnp.float32)
                       + lax.dot_general(cbt_s[pl.ds(DC, DC), :], wpostt_s[1],
                                         _DOT00, preferred_element_type=jnp.float32)
                       + bpost_s[...][None, :])


_main_call = pl.pallas_call(
    _main_body,
    grid=(NSTEPS,),
    in_specs=[
        pl.BlockSpec(memory_space=pl.ANY),
        pl.BlockSpec(memory_space=pl.ANY),
        pl.BlockSpec(memory_space=pl.ANY),
        pl.BlockSpec(memory_space=pl.ANY),
        pl.BlockSpec(memory_space=pl.ANY),
        pl.BlockSpec(memory_space=pl.ANY),
    ],
    out_specs=[
        pl.BlockSpec((BLK,), lambda i: (i,)),
        pl.BlockSpec((1, 1), lambda i: (0, 0)),
        pl.BlockSpec((K, D_IN), lambda i: (0, 0)),
    ],
    out_shape=[
        jax.ShapeDtypeStruct((N,), jnp.int32),
        jax.ShapeDtypeStruct((1, 1), jnp.float32),
        jax.ShapeDtypeStruct((K, D_IN), jnp.float32),
    ],
    scratch_shapes=[
        pltpu.VMEM((2, BLK, D_IN), jnp.float32),
        pltpu.VMEM((D, D_IN), jnp.float32),
        pltpu.VMEM((D,), jnp.float32),
        pltpu.VMEM((D, K), jnp.float32),
        pltpu.VMEM((2, DC, D_IN), jnp.float32),
        pltpu.VMEM((D_IN,), jnp.float32),
        pltpu.VMEM((1, K), jnp.float32),
        pltpu.SemaphoreType.DMA((8,)),
    ],
)

_NC, _NS = 2, 16
_NW = _NC * _NS
_B_PER_W = N // _NW


@functools.partial(
    pl.kernel,
    mesh=plsc.VectorSubcoreMesh(core_axis_name="c", subcore_axis_name="s"),
    out_type=jax.ShapeDtypeStruct((N, D_IN), jnp.float32),
    scratch_types=[
        pltpu.VMEM((_B_PER_W,), jnp.int32),
        pltpu.VMEM((_B_PER_W, D_IN), jnp.float32),
        pltpu.SemaphoreType.DMA,
    ],
)
def _gather_call(table_hbm, idx_hbm, out_hbm, idx_v, rows_v, sem):
    wid = lax.axis_index("s") * _NC + lax.axis_index("c")
    base = wid * _B_PER_W
    pltpu.sync_copy(idx_hbm.at[pl.ds(base, _B_PER_W)], idx_v)
    pltpu.async_copy(table_hbm.at[idx_v], rows_v, sem).wait()
    pltpu.sync_copy(rows_v, out_hbm.at[pl.ds(base, _B_PER_W)])


def kernel(inputs, Wpre, bpre, Wpost, bpost, codebook):
    flat_in = inputs.reshape(N, D_IN)
    idx, loss, wq = _main_call(flat_in, Wpre, bpre, codebook.T, Wpost.T, bpost)
    out = _gather_call(wq, idx)
    return out.reshape(B, L, D_IN), loss.reshape(())

# --- scband reference (transcript-rebuilt; emitter-appended) ---
"""Pipeline reference for scband-vector-quantizer-54296976556832 (READ-ONLY COPY).

The authoritative reference and input builder live on the scoring server;
editing this copy changes nothing except your own understanding.
"""

import jax, jax.numpy as jnp
import numpy as np

B, L, D_IN = 16, 256, 384
CONV_DIM = 4048
K = 512
COMMIT = 0.25

def setup_inputs(seed: int = 0) -> dict:
    key = jax.random.key(seed)
    k1, k2, k3, k4, k5, k6 = jax.random.split(key, 6)
    inputs = jax.random.normal(k1, (B, L, D_IN), dtype=jnp.float32)
    # Conv1d kernel_size=1 == pointwise linear over channel dim
    Wpre = jax.random.normal(k2, (CONV_DIM, D_IN), dtype=jnp.float32) * (1.0 / np.sqrt(D_IN))
    bpre = jax.random.normal(k3, (CONV_DIM,), dtype=jnp.float32) * 0.01
    Wpost = jax.random.normal(k4, (D_IN, CONV_DIM), dtype=jnp.float32) * (1.0 / np.sqrt(CONV_DIM))
    bpost = jax.random.normal(k5, (D_IN,), dtype=jnp.float32) * 0.01
    codebook = jax.random.uniform(k6, (K, CONV_DIM), dtype=jnp.float32, minval=-1.0 / K, maxval=1.0 / K)
    return {"inputs": inputs, "Wpre": Wpre, "bpre": bpre, "Wpost": Wpost, "bpost": bpost, "codebook": codebook}

def reference(inputs, Wpre, bpre, Wpost, bpost, codebook):
    # pre_conv: (B, L, D_IN) -> (B, L, CONV_DIM)
    x = jnp.einsum('bld,cd->blc', inputs, Wpre) + bpre
    input_shape = x.shape
    flat = x.reshape(-1, CONV_DIM)
    distances = (jnp.sum(flat ** 2, axis=1, keepdims=True)
                 - 2.0 * jnp.matmul(flat, codebook.T)
                 + jnp.sum(codebook ** 2, axis=1))
    encoding_indices = jnp.argmax(-distances, axis=1)
    encodings = jax.nn.one_hot(encoding_indices, K, dtype=jnp.float32)
    quantized = jnp.matmul(encodings, codebook).reshape(input_shape)
    e_latent_loss = jnp.mean((jax.lax.stop_gradient(quantized) - x) ** 2)
    q_latent_loss = jnp.mean((quantized - jax.lax.stop_gradient(x)) ** 2)
    loss = q_latent_loss + COMMIT * e_latent_loss
    # straight-through estimator
    quantized = x + jax.lax.stop_gradient(quantized - x)
    avg_probs = jnp.mean(encodings, axis=0)
    perplexity = jnp.exp(-jnp.sum(avg_probs * jnp.log(avg_probs + 1e-10)))
    del perplexity  # computed but not returned, matching torch module outputs
    # post_conv: (B, L, CONV_DIM) -> (B, L, D_IN)
    out = jnp.einsum('blc,dc->bld', quantized, Wpost) + bpost
    return (out, loss)

if __name__ == "__main__":
    import jax
    _d = setup_inputs()
    print(jax.jit(kernel)(*tuple(_d.values())))

</pallas_src>

<mosaic_0001>
#map = affine_map<(d0, d1) -> (0, 0)>
#map1 = affine_map<(d0, d1) -> (0)>
module attributes {stable_mosaic.version = 14 : i64} {
  func.func @_gather_call(%arg0: i32, %arg1: i32, %arg2: memref<512x384xf32, #tpu.memory_space<hbm>>, %arg3: memref<4096xi32, #tpu.memory_space<hbm>>, %arg4: memref<4096x384xf32, #tpu.memory_space<hbm>>, %arg5: memref<128xi32, #tpu.memory_space<vmem>>, %arg6: memref<128x384xf32, #tpu.memory_space<vmem>>, %arg7: memref<!tpu.dma_semaphore, #tpu.memory_space<semaphore_mem>>) attributes {dimension_semantics = [#tpu.dimension_semantics<core_parallel>, #tpu.dimension_semantics<subcore_parallel>], iteration_bounds = array<i64: 2, 16>, scalar_prefetch = 0 : i64, scratch_operands = 3 : i64, tpu.core_type = #tpu.core_type<sc_vector_subcore>, window_params = [{transform_indices = #map}, {transform_indices = #map1}, {transform_indices = #map}]} {
    %mul3A = arith.constant 2 : i32
    %mul3A_0 = arith.muli %arg1, %mul3A : i32
    %add3A = arith.addi %mul3A_0, %arg0 : i32
    %mul3A_1 = arith.constant 128 : i32
    %mul3A_2 = arith.muli %add3A, %mul3A_1 : i32
    "tpu.region"() ({
      %run_scoped3A = tpu.sem_alloc : memref<!tpu.dma_semaphore, #tpu.memory_space<semaphore_mem>>
      %dma_start3A_7 = tpu.memref_slice %arg3[%mul3A_2] : memref<4096xi32, #tpu.memory_space<hbm>> -> memref<128xi32, #tpu.memory_space<hbm>>
      %dma_start3A_8 = tpu.memref_slice %arg3[%mul3A_2] : memref<4096xi32, #tpu.memory_space<hbm>> -> memref<128xi32, #tpu.memory_space<hbm>>
      tpu.enqueue_dma source(%dma_start3A_8 : memref<128xi32, #tpu.memory_space<hbm>>) target(%arg5 : memref<128xi32, #tpu.memory_space<vmem>>) target_semaphore(%run_scoped3A : memref<!tpu.dma_semaphore, #tpu.memory_space<semaphore_mem>>)
      %dma_wait3A_9 = tpu.memref_slice %arg3[%mul3A_2] : memref<4096xi32, #tpu.memory_space<hbm>> -> memref<128xi32, #tpu.memory_space<hbm>>
      %dma_wait3A_10 = tpu.memref_slice %arg3[%mul3A_2] : memref<4096xi32, #tpu.memory_space<hbm>> -> memref<128xi32, #tpu.memory_space<hbm>>
      tpu.wait_dma2 semaphore(%run_scoped3A : memref<!tpu.dma_semaphore, #tpu.memory_space<semaphore_mem>>) src(%dma_wait3A_10 : memref<128xi32, #tpu.memory_space<hbm>>) dst(%arg5 : memref<128xi32, #tpu.memory_space<vmem>>)
      tpu.yield
    }) : () -> ()
    %dma_start3A = arith.constant 0 : i32
    %dma_start3A_3 = arith.constant 0 : i32
    %dma_start3A_4 = tpu.memref_slice %arg2[%dma_start3A, %dma_start3A_3] : memref<512x384xf32, #tpu.memory_space<hbm>> -> memref<512x384xf32, #tpu.memory_space<hbm>>
    tpu.enqueue_indirect_dma source(%dma_start3A_4 : memref<512x384xf32, #tpu.memory_space<hbm>>) target(%arg6 : memref<128x384xf32, #tpu.memory_space<vmem>>) offsets(%arg5 : memref<128xi32, #tpu.memory_space<vmem>>) semaphore(%arg7 : memref<!tpu.dma_semaphore, #tpu.memory_space<semaphore_mem>>)
    %dma_wait3A = arith.constant 0 : i32
    %dma_wait3A_5 = arith.constant 0 : i32
    %dma_wait3A_6 = tpu.memref_slice %arg2[%dma_wait3A, %dma_wait3A_5] : memref<512x384xf32, #tpu.memory_space<hbm>> -> memref<512x384xf32, #tpu.memory_space<hbm>>
    tpu.wait_indirect_dma semaphore(%arg7 : memref<!tpu.dma_semaphore, #tpu.memory_space<semaphore_mem>>) src(%dma_wait3A_6 : memref<512x384xf32, #tpu.memory_space<hbm>>) dst(%arg6 : memref<128x384xf32, #tpu.memory_space<vmem>>)
    "tpu.region"() ({
      %run_scoped3A = tpu.sem_alloc : memref<!tpu.dma_semaphore, #tpu.memory_space<semaphore_mem>>
      %dma_start3A_7 = arith.constant 0 : i32
      %dma_start3A_8 = tpu.memref_slice %arg4[%mul3A_2, %dma_start3A_7] : memref<4096x384xf32, #tpu.memory_space<hbm>> -> memref<128x384xf32, #tpu.memory_space<hbm>>
      %dma_start3A_9 = arith.constant 0 : i32
      %dma_start3A_10 = tpu.memref_slice %arg4[%mul3A_2, %dma_start3A_9] : memref<4096x384xf32, #tpu.memory_space<hbm>> -> memref<128x384xf32, #tpu.memory_space<hbm>>
      tpu.enqueue_dma source(%arg6 : memref<128x384xf32, #tpu.memory_space<vmem>>) target(%dma_start3A_10 : memref<128x384xf32, #tpu.memory_space<hbm>>) target_semaphore(%run_scoped3A : memref<!tpu.dma_semaphore, #tpu.memory_space<semaphore_mem>>)
      %dma_wait3A_11 = arith.constant 0 : i32
      %dma_wait3A_12 = tpu.memref_slice %arg4[%mul3A_2, %dma_wait3A_11] : memref<4096x384xf32, #tpu.memory_space<hbm>> -> memref<128x384xf32, #tpu.memory_space<hbm>>
      %dma_wait3A_13 = arith.constant 0 : i32
      %dma_wait3A_14 = tpu.memref_slice %arg4[%mul3A_2, %dma_wait3A_13] : memref<4096x384xf32, #tpu.memory_space<hbm>> -> memref<128x384xf32, #tpu.memory_space<hbm>>
      tpu.wait_dma2 semaphore(%run_scoped3A : memref<!tpu.dma_semaphore, #tpu.memory_space<semaphore_mem>>) src(%arg6 : memref<128x384xf32, #tpu.memory_space<vmem>>) dst(%dma_wait3A_14 : memref<128x384xf32, #tpu.memory_space<hbm>>)
      tpu.yield
    }) : () -> ()
    return
  }
}

module attributes {stable_mosaic.version = 14 : i64} {
  func.func @_main_body(%arg0: i32, %arg1: memref<4096x384xf32, #tpu.memory_space<any>>, %arg2: memref<4048x384xf32, #tpu.memory_space<any>>, %arg3: memref<4048xf32, #tpu.memory_space<any>>, %arg4: memref<4048x512xf32, #tpu.memory_space<any>>, %arg5: memref<4048x384xf32, #tpu.memory_space<any>>, %arg6: memref<384xf32, #tpu.memory_space<any>>, %arg7: memref<512xi32, #tpu.memory_space<vmem>>, %arg8: memref<1x1xf32, #tpu.memory_space<vmem>>, %arg9: memref<512x384xf32, #tpu.memory_space<vmem>>, %arg10: memref<2x512x384xf32, #tpu.memory_space<vmem>>, %arg11: memref<4048x384xf32, #tpu.memory_space<vmem>>, %arg12: memref<4048xf32, #tpu.memory_space<vmem>>, %arg13: memref<4048x512xf32, #tpu.memory_space<vmem>>, %arg14: memref<2x2024x384xf32, #tpu.memory_space<vmem>>, %arg15: memref<384xf32, #tpu.memory_space<vmem>>, %arg16: memref<1x512xf32, #tpu.memory_space<vmem>>, %arg17: memref<8x!tpu.dma_semaphore, #tpu.memory_space<semaphore_mem>>) attributes {dimension_semantics = [#tpu.dimension_semantics<arbitrary>], iteration_bounds = array<i64: 8>, scalar_prefetch = 0 : i64, scratch_operands = 8 : i64, tpu.core_type = #tpu.core_type<tc>, window_params = [{}, {}, {}, {}, {}, {}, {transform_indices = @transform_6, window_bounds = array<i64: 512>}, {pipeline_mode = #tpu.pipeline_mode<synchronous>, transform_indices = @transform_7, window_bounds = array<i64: 1, 1>}, {pipeline_mode = #tpu.pipeline_mode<synchronous>, transform_indices = @transform_8, window_bounds = array<i64: 512, 384>}]} {
    %eq3A = arith.constant 0 : i32
    %eq3A_0 = arith.cmpi eq, %arg0, %eq3A : i32
    %convert_element_type3A = arith.extui %eq3A_0 : i1 to i32
    %cond3A = arith.constant 0 : i32
    %cond3A_1 = arith.cmpi ne, %convert_element_type3A, %cond3A : i32
    scf.if %cond3A_1 {
      %dma_start3A = arith.constant 0 : i32
      %dma_start3A_134 = arith.constant 0 : i32
      %dma_start3A_135 = tpu.memref_slice %arg17[%dma_start3A_134] : memref<8x!tpu.dma_semaphore, #tpu.memory_space<semaphore_mem>> -> memref<1x!tpu.dma_semaphore, #tpu.memory_space<semaphore_mem>>
      %dma_start3A_136 = tpu.memref_squeeze %dma_start3A_135 : memref<1x!tpu.dma_semaphore, #tpu.memory_space<semaphore_mem>> -> memref<!tpu.dma_semaphore, #tpu.memory_space<semaphore_mem>>
      %dma_start3A_137 = arith.constant 0 : i32
      %dma_start3A_138 = arith.constant 0 : i32
      %dma_start3A_139 = tpu.memref_slice %arg10[%dma_start3A, %dma_start3A_137, %dma_start3A_138] : memref<2x512x384xf32, #tpu.memory_space<vmem>> -> memref<1x512x384xf32, #tpu.memory_space<vmem>>
      %dma_start3A_140 = tpu.memref_squeeze %dma_start3A_139 : memref<1x512x384xf32, #tpu.memory_space<vmem>> -> memref<512x384xf32, #tpu.memory_space<vmem>>
      %dma_start3A_141 = arith.constant 0 : i32
      %dma_start3A_142 = arith.constant 0 : i32
      %dma_start3A_143 = tpu.memref_slice %arg1[%dma_start3A_141, %dma_start3A_142] : memref<4096x384xf32, #tpu.memory_space<any>> -> memref<512x384xf32, #tpu.memory_space<any>>
      tpu.enqueue_dma source(%dma_start3A_143 : memref<512x384xf32, #tpu.memory_space<any>>) target(%dma_start3A_140 : memref<512x384xf32, #tpu.memory_space<vmem>>) target_semaphore(%dma_start3A_136 : memref<!tpu.dma_semaphore, #tpu.memory_space<semaphore_mem>>)
      %dma_start3A_144 = arith.constant 2 : i32
      %dma_start3A_145 = tpu.memref_slice %arg17[%dma_start3A_144] : memref<8x!tpu.dma_semaphore, #tpu.memory_space<semaphore_mem>> -> memref<1x!tpu.dma_semaphore, #tpu.memory_space<semaphore_mem>>
      %dma_start3A_146 = tpu.memref_squeeze %dma_start3A_145 : memref<1x!tpu.dma_semaphore, #tpu.memory_space<semaphore_mem>> -> memref<!tpu.dma_semaphore, #tpu.memory_space<semaphore_mem>>
      tpu.enqueue_dma source(%arg2 : memref<4048x384xf32, #tpu.memory_space<any>>) target(%arg11 : memref<4048x384xf32, #tpu.memory_space<vmem>>) target_semaphore(%dma_start3A_146 : memref<!tpu.dma_semaphore, #tpu.memory_space<semaphore_mem>>)
      %dma_start3A_147 = arith.constant 3 : i32
      %dma_start3A_148 = tpu.memref_slice %arg17[%dma_start3A_147] : memref<8x!tpu.dma_semaphore, #tpu.memory_space<semaphore_mem>> -> memref<1x!tpu.dma_semaphore, #tpu.memory_space<semaphore_mem>>
      %dma_start3A_149 = tpu.memref_squeeze %dma_start3A_148 : memref<1x!tpu.dma_semaphore, #tpu.memory_space<semaphore_mem>> -> memref<!tpu.dma_semaphore, #tpu.memory_space<semaphore_mem>>
      tpu.enqueue_dma source(%arg3 : memref<4048xf32, #tpu.memory_space<any>>) target(%arg12 : memref<4048xf32, #tpu.memory_space<vmem>>) target_semaphore(%dma_start3A_149 : memref<!tpu.dma_semaphore, #tpu.memory_space<semaphore_mem>>)
      %dma_start3A_150 = arith.constant 4 : i32
      %dma_start3A_151 = tpu.memref_slice %arg17[%dma_start3A_150] : memref<8x!tpu.dma_semaphore, #tpu.memory_space<semaphore_mem>> -> memref<1x!tpu.dma_semaphore, #tpu.memory_space<semaphore_mem>>
      %dma_start3A_152 = tpu.memref_squeeze %dma_start3A_151 : memref<1x!tpu.dma_semaphore, #tpu.memory_space<semaphore_mem>> -> memref<!tpu.dma_semaphore, #tpu.memory_space<semaphore_mem>>
      tpu.enqueue_dma source(%arg4 : memref<4048x512xf32, #tpu.memory_space<any>>) target(%arg13 : memref<4048x512xf32, #tpu.memory_space<vmem>>) target_semaphore(%dma_start3A_152 : memref<!tpu.dma_semaphore, #tpu.memory_space<semaphore_mem>>)
      %dma_start3A_153 = arith.constant 6 : i32
      %dma_start3A_154 = tpu.memref_slice %arg17[%dma_start3A_153] : memref<8x!tpu.dma_semaphore, #tpu.memory_space<semaphore_mem>> -> memref<1x!tpu.dma_semaphore, #tpu.memory_space<semaphore_mem>>
      %dma_start3A_155 = tpu.memref_squeeze %dma_start3A_154 : memref<1x!tpu.dma_semaphore, #tpu.memory_space<semaphore_mem>> -> memref<!tpu.dma_semaphore, #tpu.memory_space<semaphore_mem>>
      tpu.enqueue_dma source(%arg6 : memref<384xf32, #tpu.memory_space<any>>) target(%arg15 : memref<384xf32, #tpu.memory_space<vmem>>) target_semaphore(%dma_start3A_155 : memref<!tpu.dma_semaphore, #tpu.memory_space<semaphore_mem>>)
    } else {
    }
    %add3A = arith.constant 1 : i32
    %add3A_2 = arith.addi %arg0, %add3A : i32
    %lt3A = arith.constant 8 : i32
    %lt3A_3 = arith.cmpi slt, %add3A_2, %lt3A : i32
    %convert_element_type3A_4 = arith.extui %lt3A_3 : i1 to i32
    %cond3A_5 = arith.constant 0 : i32
    %cond3A_6 = arith.cmpi ne, %convert_element_type3A_4, %cond3A_5 : i32
    scf.if %cond3A_6 {
      %add3A_134 = arith.constant 1 : i32
      %add3A_135 = arith.addi %arg0, %add3A_134 : i32
      %mul3A_136 = arith.constant 512 : i32
      %mul3A_137 = arith.muli %add3A_135, %mul3A_136 : i32
      %add3A_138 = arith.constant 1 : i32
      %add3A_139 = arith.addi %arg0, %add3A_138 : i32
      %jit3A_140 = arith.constant 2 : i32
      %eq3A_141 = arith.constant 0 : i32
      %eq3A_142 = arith.cmpi eq, %jit3A_140, %eq3A_141 : i32
      %jit3A_143 = arith.constant 1 : i32
      %select_n3A_144 = arith.select %eq3A_142, %jit3A_143, %jit3A_140 : i32
      %rem3A_145 = arith.remsi %add3A_139, %select_n3A_144 : i32
      %ne3A_146 = arith.constant 0 : i32
      %ne3A_147 = arith.cmpi ne, %rem3A_145, %ne3A_146 : i32
      %lt3A_148 = arith.constant 0 : i32
      %lt3A_149 = arith.cmpi slt, %rem3A_145, %lt3A_148 : i32
      %lt3A_150 = arith.constant 0 : i32
      %lt3A_151 = arith.cmpi slt, %select_n3A_144, %lt3A_150 : i32
      %ne3A_152 = arith.xori %lt3A_149, %lt3A_151 : i1
      %and3A_153 = arith.andi %ne3A_152, %ne3A_147 : i1
      %add3A_154 = arith.addi %rem3A_145, %select_n3A_144 : i32
      %select_n3A_155 = arith.select %and3A_153, %add3A_154, %rem3A_145 : i32
      %add3A_156 = arith.constant 1 : i32
      %add3A_157 = arith.addi %arg0, %add3A_156 : i32
      %jit3A_158 = arith.constant 2 : i32
      %eq3A_159 = arith.constant 0 : i32
      %eq3A_160 = arith.cmpi eq, %jit3A_158, %eq3A_159 : i32
      %jit3A_161 = arith.constant 1 : i32
      %select_n3A_162 = arith.select %eq3A_160, %jit3A_161, %jit3A_158 : i32
      %rem3A_163 = arith.remsi %add3A_157, %select_n3A_162 : i32
      %ne3A_164 = arith.constant 0 : i32
      %ne3A_165 = arith.cmpi ne, %rem3A_163, %ne3A_164 : i32
      %lt3A_166 = arith.constant 0 : i32
      %lt3A_167 = arith.cmpi slt, %rem3A_163, %lt3A_166 : i32
      %lt3A_168 = arith.constant 0 : i32
      %lt3A_169 = arith.cmpi slt, %select_n3A_162, %lt3A_168 : i32
      %ne3A_170 = arith.xori %lt3A_167, %lt3A_169 : i1
      %and3A_171 = arith.andi %ne3A_170, %ne3A_165 : i1
      %add3A_172 = arith.addi %rem3A_163, %select_n3A_162 : i32
      %select_n3A_173 = arith.select %and3A_171, %add3A_172, %rem3A_163 : i32
      %dma_start3A = tpu.memref_slice %arg17[%select_n3A_173] : memref<8x!tpu.dma_semaphore, #tpu.memory_space<semaphore_mem>> -> memref<1x!tpu.dma_semaphore, #tpu.memory_space<semaphore_mem>>
      %dma_start3A_174 = tpu.memref_squeeze %dma_start3A : memref<1x!tpu.dma_semaphore, #tpu.memory_space<semaphore_mem>> -> memref<!tpu.dma_semaphore, #tpu.memory_space<semaphore_mem>>
      %dma_start3A_175 = arith.constant 0 : i32
      %dma_start3A_176 = arith.constant 0 : i32
      %dma_start3A_177 = tpu.memref_slice %arg10[%select_n3A_155, %dma_start3A_175, %dma_start3A_176] : memref<2x512x384xf32, #tpu.memory_space<vmem>> -> memref<1x512x384xf32, #tpu.memory_space<vmem>>
      %dma_start3A_178 = tpu.memref_squeeze %dma_start3A_177 : memref<1x512x384xf32, #tpu.memory_space<vmem>> -> memref<512x384xf32, #tpu.memory_space<vmem>>
      %dma_start3A_179 = arith.constant 0 : i32
      %dma_start3A_180 = tpu.memref_slice %arg1[%mul3A_137, %dma_start3A_179] : memref<4096x384xf32, #tpu.memory_space<any>> -> memref<512x384xf32, #tpu.memory_space<any>>
      tpu.enqueue_dma source(%dma_start3A_180 : memref<512x384xf32, #tpu.memory_space<any>>) target(%dma_start3A_178 : memref<512x384xf32, #tpu.memory_space<vmem>>) target_semaphore(%dma_start3A_174 : memref<!tpu.dma_semaphore, #tpu.memory_space<semaphore_mem>>)
    } else {
    }
    %mul3A = arith.constant 512 : i32
    %mul3A_7 = arith.muli %arg0, %mul3A : i32
    %jit3A = arith.constant 2 : i32
    %eq3A_8 = arith.constant 0 : i32
    %eq3A_9 = arith.cmpi eq, %jit3A, %eq3A_8 : i32
    %jit3A_10 = arith.constant 1 : i32
    %select_n3A = arith.select %eq3A_9, %jit3A_10, %jit3A : i32
    %rem3A = arith.remsi %arg0, %select_n3A : i32
    %ne3A = arith.constant 0 : i32
    %ne3A_11 = arith.cmpi ne, %rem3A, %ne3A : i32
    %lt3A_12 = arith.constant 0 : i32
    %lt3A_13 = arith.cmpi slt, %rem3A, %lt3A_12 : i32
    %lt3A_14 = arith.constant 0 : i32
    %lt3A_15 = arith.cmpi slt, %select_n3A, %lt3A_14 : i32
    %ne3A_16 = arith.xori %lt3A_13, %lt3A_15 : i1
    %and3A = arith.andi %ne3A_16, %ne3A_11 : i1
    %add3A_17 = arith.addi %rem3A, %select_n3A : i32
    %select_n3A_18 = arith.select %and3A, %add3A_17, %rem3A : i32
    %jit3A_19 = arith.constant 2 : i32
    %eq3A_20 = arith.constant 0 : i32
    %eq3A_21 = arith.cmpi eq, %jit3A_19, %eq3A_20 : i32
    %jit3A_22 = arith.constant 1 : i32
    %select_n3A_23 = arith.select %eq3A_21, %jit3A_22, %jit3A_19 : i32
    %rem3A_24 = arith.remsi %arg0, %select_n3A_23 : i32
    %ne3A_25 = arith.constant 0 : i32
    %ne3A_26 = arith.cmpi ne, %rem3A_24, %ne3A_25 : i32
    %lt3A_27 = arith.constant 0 : i32
    %lt3A_28 = arith.cmpi slt, %rem3A_24, %lt3A_27 : i32
    %lt3A_29 = arith.constant 0 : i32
    %lt3A_30 = arith.cmpi slt, %select_n3A_23, %lt3A_29 : i32
    %ne3A_31 = arith.xori %lt3A_28, %lt3A_30 : i1
    %and3A_32 = arith.andi %ne3A_31, %ne3A_26 : i1
    %add3A_33 = arith.addi %rem3A_24, %select_n3A_23 : i32
    %select_n3A_34 = arith.select %and3A_32, %add3A_33, %rem3A_24 : i32
    %dma_wait3A = tpu.memref_slice %arg17[%select_n3A_34] : memref<8x!tpu.dma_semaphore, #tpu.memory_space<semaphore_mem>> -> memref<1x!tpu.dma_semaphore, #tpu.memory_space<semaphore_mem>>
    %dma_wait3A_35 = tpu.memref_squeeze %dma_wait3A : memref<1x!tpu.dma_semaphore, #tpu.memory_space<semaphore_mem>> -> memref<!tpu.dma_semaphore, #tpu.memory_space<semaphore_mem>>
    %dma_wait3A_36 = arith.constant 0 : i32
    %dma_wait3A_37 = arith.constant 0 : i32
    %dma_wait3A_38 = tpu.memref_slice %arg10[%select_n3A_18, %dma_wait3A_36, %dma_wait3A_37] : memref<2x512x384xf32, #tpu.memory_space<vmem>> -> memref<1x512x384xf32, #tpu.memory_space<vmem>>
    %dma_wait3A_39 = tpu.memref_squeeze %dma_wait3A_38 : memref<1x512x384xf32, #tpu.memory_space<vmem>> -> memref<512x384xf32, #tpu.memory_space<vmem>>
    %dma_wait3A_40 = arith.constant 0 : i32
    %dma_wait3A_41 = tpu.memref_slice %arg1[%mul3A_7, %dma_wait3A_40] : memref<4096x384xf32, #tpu.memory_space<any>> -> memref<512x384xf32, #tpu.memory_space<any>>
    tpu.wait_dma2 semaphore(%dma_wait3A_35 : memref<!tpu.dma_semaphore, #tpu.memory_space<semaphore_mem>>) src(%dma_wait3A_41 : memref<512x384xf32, #tpu.memory_space<any>>) dst(%dma_wait3A_39 : memref<512x384xf32, #tpu.memory_space<vmem>>)
    %eq3A_42 = arith.constant 0 : i32
    %eq3A_43 = arith.cmpi eq, %arg0, %eq3A_42 : i32
    %convert_element_type3A_44 = arith.extui %eq3A_43 : i1 to i32
    %cond3A_45 = arith.constant 0 : i32
    %cond3A_46 = arith.cmpi ne, %convert_element_type3A_44, %cond3A_45 : i32
    scf.if %cond3A_46 {
      %dma_wait3A_134 = arith.constant 2 : i32
      %dma_wait3A_135 = tpu.memref_slice %arg17[%dma_wait3A_134] : memref<8x!tpu.dma_semaphore, #tpu.memory_space<semaphore_mem>> -> memref<1x!tpu.dma_semaphore, #tpu.memory_space<semaphore_mem>>
      %dma_wait3A_136 = tpu.memref_squeeze %dma_wait3A_135 : memref<1x!tpu.dma_semaphore, #tpu.memory_space<semaphore_mem>> -> memref<!tpu.dma_semaphore, #tpu.memory_space<semaphore_mem>>
      tpu.wait_dma2 semaphore(%dma_wait3A_136 : memref<!tpu.dma_semaphore, #tpu.memory_space<semaphore_mem>>) src(%arg2 : memref<4048x384xf32, #tpu.memory_space<any>>) dst(%arg11 : memref<4048x384xf32, #tpu.memory_space<vmem>>)
      %dma_wait3A_137 = arith.constant 3 : i32
      %dma_wait3A_138 = tpu.memref_slice %arg17[%dma_wait3A_137] : memref<8x!tpu.dma_semaphore, #tpu.memory_space<semaphore_mem>> -> memref<1x!tpu.dma_semaphore, #tpu.memory_space<semaphore_mem>>
      %dma_wait3A_139 = tpu.memref_squeeze %dma_wait3A_138 : memref<1x!tpu.dma_semaphore, #tpu.memory_space<semaphore_mem>> -> memref<!tpu.dma_semaphore, #tpu.memory_space<semaphore_mem>>
      tpu.wait_dma2 semaphore(%dma_wait3A_139 : memref<!tpu.dma_semaphore, #tpu.memory_space<semaphore_mem>>) src(%arg3 : memref<4048xf32, #tpu.memory_space<any>>) dst(%arg12 : memref<4048xf32, #tpu.memory_space<vmem>>)
    } else {
    }
    %jit3A_47 = arith.constant 2 : i32
    %eq3A_48 = arith.constant 0 : i32
    %eq3A_49 = arith.cmpi eq, %jit3A_47, %eq3A_48 : i32
    %jit3A_50 = arith.constant 1 : i32
    %select_n3A_51 = arith.select %eq3A_49, %jit3A_50, %jit3A_47 : i32
    %rem3A_52 = arith.remsi %arg0, %select_n3A_51 : i32
    %ne3A_53 = arith.constant 0 : i32
    %ne3A_54 = arith.cmpi ne, %rem3A_52, %ne3A_53 : i32
    %lt3A_55 = arith.constant 0 : i32
    %lt3A_56 = arith.cmpi slt, %rem3A_52, %lt3A_55 : i32
    %lt3A_57 = arith.constant 0 : i32
    %lt3A_58 = arith.cmpi slt, %select_n3A_51, %lt3A_57 : i32
    %ne3A_59 = arith.xori %lt3A_56, %lt3A_58 : i1
    %and3A_60 = arith.andi %ne3A_59, %ne3A_54 : i1
    %add3A_61 = arith.addi %rem3A_52, %select_n3A_51 : i32
    %select_n3A_62 = arith.select %and3A_60, %add3A_61, %rem3A_52 : i32
    %get3A = arith.index_cast %select_n3A_62 : i32 to index
    %get3A_63 = arith.constant 0 : index
    %get3A_64 = arith.constant 0 : index
    %get3A_65 = vector.load %arg10[%get3A, %get3A_63, %get3A_64] : memref<2x512x384xf32, #tpu.memory_space<vmem>>, vector<1x512x384xf32>
    %get3A_66 = vector.shape_cast %get3A_65 : vector<1x512x384xf32> to vector<512x384xf32>
    %get3A_67 = arith.constant 0 : index
    %get3A_68 = arith.constant 0 : index
    %get3A_69 = vector.load %arg11[%get3A_67, %get3A_68] : memref<4048x384xf32, #tpu.memory_space<vmem>>, vector<4048x384xf32>
    %dot_general3A = arith.constant dense<0.000000e+00> : vector<512x4048xf32>
    %dot_general3A_70 = tpu.matmul %get3A_66, %get3A_69, %dot_general3A {dimension_numbers = #tpu.dot_dimension_numbers<[1], [1], [0], [0], [0, 0, 1, 0], [], []>, transpose_lhs_hint = false} : vector<512x384xf32>, vector<4048x384xf32>, vector<512x4048xf32> -> vector<512x4048xf32>
    %get3A_71 = arith.constant 0 : index
    %get3A_72 = vector.load %arg12[%get3A_71] : memref<4048xf32, #tpu.memory_space<vmem>>, vector<4048xf32>
    %broadcast_in_dim3A = vector.shape_cast %get3A_72 : vector<4048xf32> to vector<1x4048xf32>
    %add3A_73 = vector.broadcast %broadcast_in_dim3A : vector<1x4048xf32> to vector<512x4048xf32>
    %add3A_74 = arith.addf %dot_general3A_70, %add3A_73 : vector<512x4048xf32>
    %mul3A_75 = arith.mulf %add3A_74, %add3A_74 : vector<512x4048xf32>
    %reduce_sum3A = arith.constant dense<0.000000e+00> : vector<512xf32>
    %reduce_sum3A_76 = vector.multi_reduction <add>, %mul3A_75, %reduce_sum3A [1] : vector<512x4048xf32> to vector<512xf32>
    %broadcast_in_dim3A_77 = vector.shape_cast %reduce_sum3A_76 : vector<512xf32> to vector<512x1xf32>
    %eq3A_78 = arith.constant 0 : i32
    %eq3A_79 = arith.cmpi eq, %arg0, %eq3A_78 : i32
    %convert_element_type3A_80 = arith.extui %eq3A_79 : i1 to i32
    %cond3A_81 = arith.constant 0 : i32
    %cond3A_82 = arith.cmpi ne, %convert_element_type3A_80, %cond3A_81 : i32
    scf.if %cond3A_82 {
      %dma_wait3A_134 = arith.constant 4 : i32
      %dma_wait3A_135 = tpu.memref_slice %arg17[%dma_wait3A_134] : memref<8x!tpu.dma_semaphore, #tpu.memory_space<semaphore_mem>> -> memref<1x!tpu.dma_semaphore, #tpu.memory_space<semaphore_mem>>
      %dma_wait3A_136 = tpu.memref_squeeze %dma_wait3A_135 : memref<1x!tpu.dma_semaphore, #tpu.memory_space<semaphore_mem>> -> memref<!tpu.dma_semaphore, #tpu.memory_space<semaphore_mem>>
      tpu.wait_dma2 semaphore(%dma_wait3A_136 : memref<!tpu.dma_semaphore, #tpu.memory_space<semaphore_mem>>) src(%arg4 : memref<4048x512xf32, #tpu.memory_space<any>>) dst(%arg13 : memref<4048x512xf32, #tpu.memory_space<vmem>>)
      %get3A_137 = arith.constant 0 : index
      %get3A_138 = arith.constant 0 : index
      %get3A_139 = vector.load %arg13[%get3A_137, %get3A_138] : memref<4048x512xf32, #tpu.memory_space<vmem>>, vector<4048x512xf32>
      %get3A_140 = arith.constant 0 : index
      %get3A_141 = arith.constant 0 : index
      %get3A_142 = vector.load %arg13[%get3A_140, %get3A_141] : memref<4048x512xf32, #tpu.memory_space<vmem>>, vector<4048x512xf32>
      %mul3A_143 = arith.mulf %get3A_139, %get3A_142 : vector<4048x512xf32>
      %broadcast_in_dim3A_144 = arith.constant 1.000000e+00 : f32
      %broadcast_in_dim3A_145 = vector.broadcast %broadcast_in_dim3A_144 : f32 to vector<1x4048xf32>
      %dot_general3A_146 = arith.constant dense<0.000000e+00> : vector<1x512xf32>
      %dot_general3A_147 = tpu.matmul %broadcast_in_dim3A_145, %mul3A_143, %dot_general3A_146 {dimension_numbers = #tpu.dot_dimension_numbers<[1], [0], [0], [1], [0, 0, 1, 1], [], []>, transpose_lhs_hint = false} : vector<1x4048xf32>, vector<4048x512xf32>, vector<1x512xf32> -> vector<1x512xf32>
      %swap3A_148 = arith.constant 0 : index
      %swap3A_149 = arith.constant 0 : index
      %swap3A_150 = vector.load %arg16[%swap3A_148, %swap3A_149] : memref<1x512xf32, #tpu.memory_space<vmem>>, vector<1x512xf32>
      tpu.vector_store %arg16[%swap3A_148, %swap3A_149], %dot_general3A_147 {strides = array<i32>} : memref<1x512xf32, #tpu.memory_space<vmem>>, vector<1x512xf32>,
      %broadcast_in_dim3A_151 = arith.constant 0.000000e+00 : f32
      %broadcast_in_dim3A_152 = vector.broadcast %broadcast_in_dim3A_151 : f32 to vector<1x1xf32>
      %swap3A_153 = arith.constant 0 : index
      %swap3A_154 = arith.constant 0 : index
      %swap3A_155 = vector.load %arg8[%swap3A_153, %swap3A_154] : memref<1x1xf32, #tpu.memory_space<vmem>>, vector<1x1xf32>
      tpu.vector_store %arg8[%swap3A_153, %swap3A_154], %broadcast_in_dim3A_152 {strides = array<i32>} : memref<1x1xf32, #tpu.memory_space<vmem>>, vector<1x1xf32>,
    } else {
    }
    %get3A_83 = arith.constant 0 : index
    %get3A_84 = arith.constant 0 : index
    %get3A_85 = vector.load %arg13[%get3A_83, %get3A_84] : memref<4048x512xf32, #tpu.memory_space<vmem>>, vector<4048x512xf32>
    %dot_general3A_86 = arith.constant dense<0.000000e+00> : vector<512x512xf32>
    %dot_general3A_87 = tpu.matmul %add3A_74, %get3A_85, %dot_general3A_86 {dimension_numbers = #tpu.dot_dimension_numbers<[1], [0], [0], [1], [0, 0, 1, 1], [], []>, transpose_lhs_hint = false} : vector<512x4048xf32>, vector<4048x512xf32>, vector<512x512xf32> -> vector<512x512xf32>
    %mul3A_88 = arith.constant 2.000000e+00 : f32
    %mul3A_89 = vector.broadcast %mul3A_88 : f32 to vector<512x512xf32>
    %mul3A_90 = arith.mulf %mul3A_89, %dot_general3A_87 : vector<512x512xf32>
    %sub3A = vector.broadcast %broadcast_in_dim3A_77 : vector<512x1xf32> to vector<512x512xf32>
    %sub3A_91 = arith.subf %sub3A, %mul3A_90 : vector<512x512xf32>
    %get3A_92 = arith.constant 0 : index
    %get3A_93 = arith.constant 0 : index
    %get3A_94 = vector.load %arg16[%get3A_92, %get3A_93] : memref<1x512xf32, #tpu.memory_space<vmem>>, vector<1x512xf32>
    %add3A_95 = vector.broadcast %get3A_94 : vector<1x512xf32> to vector<512x512xf32>
    %add3A_96 = arith.addf %sub3A_91, %add3A_95 : vector<512x512xf32>
    %neg3A = arith.constant 0.000000e+00 : f32
    %neg3A_97 = vector.broadcast %neg3A : f32 to vector<512x512xf32>
    %neg3A_98 = arith.subf %neg3A_97, %add3A_96 : vector<512x512xf32>
    %reduce_max3A = arith.constant dense<0xFF800000> : vector<512xf32>
    %reduce_max3A_99 = vector.multi_reduction <maximumf>, %neg3A_98, %reduce_max3A [1] : vector<512x512xf32> to vector<512xf32>
    %broadcast_in_dim3A_100 = vector.shape_cast %reduce_max3A_99 : vector<512xf32> to vector<512x1xf32>
    %iota3A = tpu.iota {dimensions = array<i32: 1>} : vector<512x512xi32>
    %eq3A_101 = vector.broadcast %broadcast_in_dim3A_100 : vector<512x1xf32> to vector<512x512xf32>
    %eq3A_102 = arith.cmpf oeq, %neg3A_98, %eq3A_101 : vector<512x512xf32>
    %jit3A_103 = arith.constant 512 : i32
    %broadcast_in_dim3A_104 = vector.broadcast %jit3A_103 : i32 to vector<512x512xi32>
    %select_n3A_105 = arith.select %eq3A_102, %iota3A, %broadcast_in_dim3A_104 : vector<512x512xi1>, vector<512x512xi32>
    %reduce_min3A = arith.constant dense<2147483647> : vector<512xi32>
    %reduce_min3A_106 = vector.multi_reduction <minsi>, %select_n3A_105, %reduce_min3A [1] : vector<512x512xi32> to vector<512xi32>
    %swap3A = arith.constant 0 : index
    %swap3A_107 = vector.load %arg7[%swap3A] : memref<512xi32, #tpu.memory_space<vmem>>, vector<512xi32>
    tpu.vector_store %arg7[%swap3A], %reduce_min3A_106 {strides = array<i32>} : memref<512xi32, #tpu.memory_space<vmem>>, vector<512xi32>,
    %get3A_108 = arith.constant 0 : index
    %get3A_109 = arith.constant 0 : index
    %get3A_110 = vector.load %arg8[%get3A_108, %get3A_109] : memref<1x1xf32, #tpu.memory_space<vmem>>, vector<1x1xf32>
    %neg3A_111 = arith.constant 0.000000e+00 : f32
    %neg3A_112 = vector.broadcast %neg3A_111 : f32 to vector<512x1xf32>
    %neg3A_113 = arith.subf %neg3A_112, %broadcast_in_dim3A_100 : vector<512x1xf32>
    %reduce_sum3A_114 = vector.shape_cast %neg3A_113 : vector<512x1xf32> to vector<1x512x1xf32>
    %reduce_sum3A_115 = arith.constant dense<0.000000e+00> : vector<1xf32>
    %reduce_sum3A_116 = vector.multi_reduction <add>, %reduce_sum3A_114, %reduce_sum3A_115 [1, 2] : vector<1x512x1xf32> to vector<1xf32>
    %reduce_sum3A_117 = vector.shape_cast %reduce_sum3A_116 : vector<1xf32> to vector<1x1x1xf32>
    %reduce_sum3A_118 = vector.extract %reduce_sum3A_117[0, 0, 0] : f32 from vector<1x1x1xf32>
    %add3A_119 = vector.broadcast %reduce_sum3A_118 : f32 to vector<1x1xf32>
    %add3A_120 = arith.addf %get3A_110, %add3A_119 : vector<1x1xf32>
    %swap3A_121 = arith.constant 0 : index
    %swap3A_122 = arith.constant 0 : index
    %swap3A_123 = vector.load %arg8[%swap3A_121, %swap3A_122] : memref<1x1xf32, #tpu.memory_space<vmem>>, vector<1x1xf32>
    tpu.vector_store %arg8[%swap3A_121, %swap3A_122], %add3A_120 {strides = array<i32>} : memref<1x1xf32, #tpu.memory_space<vmem>>, vector<1x1xf32>,
    %eq3A_124 = arith.constant 6 : i32
    %eq3A_125 = arith.cmpi eq, %arg0, %eq3A_124 : i32
    %convert_element_type3A_126 = arith.extui %eq3A_125 : i1 to i32
    %cond3A_127 = arith.constant 0 : i32
    %cond3A_128 = arith.cmpi ne, %convert_element_type3A_126, %cond3A_127 : i32
    scf.if %cond3A_128 {
      %dma_start3A = arith.constant 0 : i32
      %dma_start3A_134 = arith.constant 5 : i32
      %dma_start3A_135 = tpu.memref_slice %arg17[%dma_start3A_134] : memref<8x!tpu.dma_semaphore, #tpu.memory_space<semaphore_mem>> -> memref<1x!tpu.dma_semaphore, #tpu.memory_space<semaphore_mem>>
      %dma_start3A_136 = tpu.memref_squeeze %dma_start3A_135 : memref<1x!tpu.dma_semaphore, #tpu.memory_space<semaphore_mem>> -> memref<!tpu.dma_semaphore, #tpu.memory_space<semaphore_mem>>
      %dma_start3A_137 = arith.constant 0 : i32
      %dma_start3A_138 = arith.constant 0 : i32
      %dma_start3A_139 = tpu.memref_slice %arg14[%dma_start3A, %dma_start3A_137, %dma_start3A_138] : memref<2x2024x384xf32, #tpu.memory_space<vmem>> -> memref<1x2024x384xf32, #tpu.memory_space<vmem>>
      %dma_start3A_140 = tpu.memref_squeeze %dma_start3A_139 : memref<1x2024x384xf32, #tpu.memory_space<vmem>> -> memref<2024x384xf32, #tpu.memory_space<vmem>>
      %dma_start3A_141 = arith.constant 0 : i32
      %dma_start3A_142 = arith.constant 0 : i32
      %dma_start3A_143 = tpu.memref_slice %arg5[%dma_start3A_141, %dma_start3A_142] : memref<4048x384xf32, #tpu.memory_space<any>> -> memref<2024x384xf32, #tpu.memory_space<any>>
      tpu.enqueue_dma source(%dma_start3A_143 : memref<2024x384xf32, #tpu.memory_space<any>>) target(%dma_start3A_140 : memref<2024x384xf32, #tpu.memory_space<vmem>>) target_semaphore(%dma_start3A_136 : memref<!tpu.dma_semaphore, #tpu.memory_space<semaphore_mem>>)
      %dma_start3A_144 = arith.constant 1 : i32
      %dma_start3A_145 = arith.constant 7 : i32
      %dma_start3A_146 = tpu.memref_slice %arg17[%dma_start3A_145] : memref<8x!tpu.dma_semaphore, #tpu.memory_space<semaphore_mem>> -> memref<1x!tpu.dma_semaphore, #tpu.memory_space<semaphore_mem>>
      %dma_start3A_147 = tpu.memref_squeeze %dma_start3A_146 : memref<1x!tpu.dma_semaphore, #tpu.memory_space<semaphore_mem>> -> memref<!tpu.dma_semaphore, #tpu.memory_space<semaphore_mem>>
      %dma_start3A_148 = arith.constant 0 : i32
      %dma_start3A_149 = arith.constant 0 : i32
      %dma_start3A_150 = tpu.memref_slice %arg14[%dma_start3A_144, %dma_start3A_148, %dma_start3A_149] : memref<2x2024x384xf32, #tpu.memory_space<vmem>> -> memref<1x2024x384xf32, #tpu.memory_space<vmem>>
      %dma_start3A_151 = tpu.memref_squeeze %dma_start3A_150 : memref<1x2024x384xf32, #tpu.memory_space<vmem>> -> memref<2024x384xf32, #tpu.memory_space<vmem>>
      %dma_start3A_152 = arith.constant 2024 : i32
      %dma_start3A_153 = arith.constant 0 : i32
      %dma_start3A_154 = tpu.memref_slice %arg5[%dma_start3A_152, %dma_start3A_153] : memref<4048x384xf32, #tpu.memory_space<any>> -> memref<2024x384xf32, #tpu.memory_space<any>>
      tpu.enqueue_dma source(%dma_start3A_154 : memref<2024x384xf32, #tpu.memory_space<any>>) target(%dma_start3A_151 : memref<2024x384xf32, #tpu.memory_space<vmem>>) target_semaphore(%dma_start3A_147 : memref<!tpu.dma_semaphore, #tpu.memory_space<semaphore_mem>>)
    } else {
    }
    %eq3A_129 = arith.constant 7 : i32
    %eq3A_130 = arith.cmpi eq, %arg0, %eq3A_129 : i32
    %convert_element_type3A_131 = arith.extui %eq3A_130 : i1 to i32
    %cond3A_132 = arith.constant 0 : i32
    %cond3A_133 = arith.cmpi ne, %convert_element_type3A_131, %cond3A_132 : i32
    scf.if %cond3A_133 {
      %get3A_134 = arith.constant 0 : index
      %get3A_135 = arith.constant 0 : index
      %get3A_136 = vector.load %arg8[%get3A_134, %get3A_135] : memref<1x1xf32, #tpu.memory_space<vmem>>, vector<1x1xf32>
      %mul3A_137 = arith.constant 7.53892734E-8 : f32
      %mul3A_138 = vector.broadcast %mul3A_137 : f32 to vector<1x1xf32>
      %mul3A_139 = arith.mulf %get3A_136, %mul3A_138 : vector<1x1xf32>
      %swap3A_140 = arith.constant 0 : index
      %swap3A_141 = arith.constant 0 : index
      %swap3A_142 = vector.load %arg8[%swap3A_140, %swap3A_141] : memref<1x1xf32, #tpu.memory_space<vmem>>, vector<1x1xf32>
      tpu.vector_store %arg8[%swap3A_140, %swap3A_141], %mul3A_139 {strides = array<i32>} : memref<1x1xf32, #tpu.memory_space<vmem>>, vector<1x1xf32>,
      %dma_wait3A_143 = arith.constant 0 : i32
      %dma_wait3A_144 = arith.constant 5 : i32
      %dma_wait3A_145 = tpu.memref_slice %arg17[%dma_wait3A_144] : memref<8x!tpu.dma_semaphore, #tpu.memory_space<semaphore_mem>> -> memref<1x!tpu.dma_semaphore, #tpu.memory_space<semaphore_mem>>
      %dma_wait3A_146 = tpu.memref_squeeze %dma_wait3A_145 : memref<1x!tpu.dma_semaphore, #tpu.memory_space<semaphore_mem>> -> memref<!tpu.dma_semaphore, #tpu.memory_space<semaphore_mem>>
      %dma_wait3A_147 = arith.constant 0 : i32
      %dma_wait3A_148 = arith.constant 0 : i32
      %dma_wait3A_149 = tpu.memref_slice %arg14[%dma_wait3A_143, %dma_wait3A_147, %dma_wait3A_148] : memref<2x2024x384xf32, #tpu.memory_space<vmem>> -> memref<1x2024x384xf32, #tpu.memory_space<vmem>>
      %dma_wait3A_150 = tpu.memref_squeeze %dma_wait3A_149 : memref<1x2024x384xf32, #tpu.memory_space<vmem>> -> memref<2024x384xf32, #tpu.memory_space<vmem>>
      %dma_wait3A_151 = arith.constant 0 : i32
      %dma_wait3A_152 = arith.constant 0 : i32
      %dma_wait3A_153 = tpu.memref_slice %arg5[%dma_wait3A_151, %dma_wait3A_152] : memref<4048x384xf32, #tpu.memory_space<any>> -> memref<2024x384xf32, #tpu.memory_space<any>>
      tpu.wait_dma2 semaphore(%dma_wait3A_146 : memref<!tpu.dma_semaphore, #tpu.memory_space<semaphore_mem>>) src(%dma_wait3A_153 : memref<2024x384xf32, #tpu.memory_space<any>>) dst(%dma_wait3A_150 : memref<2024x384xf32, #tpu.memory_space<vmem>>)
      %dma_wait3A_154 = arith.constant 1 : i32
      %dma_wait3A_155 = arith.constant 7 : i32
      %dma_wait3A_156 = tpu.memref_slice %arg17[%dma_wait3A_155] : memref<8x!tpu.dma_semaphore, #tpu.memory_space<semaphore_mem>> -> memref<1x!tpu.dma_semaphore, #tpu.memory_space<semaphore_mem>>
      %dma_wait3A_157 = tpu.memref_squeeze %dma_wait3A_156 : memref<1x!tpu.dma_semaphore, #tpu.memory_space<semaphore_mem>> -> memref<!tpu.dma_semaphore, #tpu.memory_space<semaphore_mem>>
      %dma_wait3A_158 = arith.constant 0 : i32
      %dma_wait3A_159 = arith.constant 0 : i32
      %dma_wait3A_160 = tpu.memref_slice %arg14[%dma_wait3A_154, %dma_wait3A_158, %dma_wait3A_159] : memref<2x2024x384xf32, #tpu.memory_space<vmem>> -> memref<1x2024x384xf32, #tpu.memory_space<vmem>>
      %dma_wait3A_161 = tpu.memref_squeeze %dma_wait3A_160 : memref<1x2024x384xf32, #tpu.memory_space<vmem>> -> memref<2024x384xf32, #tpu.memory_space<vmem>>
      %dma_wait3A_162 = arith.constant 2024 : i32
      %dma_wait3A_163 = arith.constant 0 : i32
      %dma_wait3A_164 = tpu.memref_slice %arg5[%dma_wait3A_162, %dma_wait3A_163] : memref<4048x384xf32, #tpu.memory_space<any>> -> memref<2024x384xf32, #tpu.memory_space<any>>
      tpu.wait_dma2 semaphore(%dma_wait3A_157 : memref<!tpu.dma_semaphore, #tpu.memory_space<semaphore_mem>>) src(%dma_wait3A_164 : memref<2024x384xf32, #tpu.memory_space<any>>) dst(%dma_wait3A_161 : memref<2024x384xf32, #tpu.memory_space<vmem>>)
      %dma_wait3A_165 = arith.constant 6 : i32
      %dma_wait3A_166 = tpu.memref_slice %arg17[%dma_wait3A_165] : memref<8x!tpu.dma_semaphore, #tpu.memory_space<semaphore_mem>> -> memref<1x!tpu.dma_semaphore, #tpu.memory_space<semaphore_mem>>
      %dma_wait3A_167 = tpu.memref_squeeze %dma_wait3A_166 : memref<1x!tpu.dma_semaphore, #tpu.memory_space<semaphore_mem>> -> memref<!tpu.dma_semaphore, #tpu.memory_space<semaphore_mem>>
      tpu.wait_dma2 semaphore(%dma_wait3A_167 : memref<!tpu.dma_semaphore, #tpu.memory_space<semaphore_mem>>) src(%arg6 : memref<384xf32, #tpu.memory_space<any>>) dst(%arg15 : memref<384xf32, #tpu.memory_space<vmem>>)
      %get3A_168 = arith.constant 0 : index
      %get3A_169 = arith.constant 0 : index
      %get3A_170 = vector.load %arg13[%get3A_168, %get3A_169] : memref<4048x512xf32, #tpu.memory_space<vmem>>, vector<2024x512xf32>
      %get3A_171 = arith.constant 0 : index
      %get3A_172 = arith.constant 0 : index
      %get3A_173 = arith.constant 0 : index
      %get3A_174 = vector.load %arg14[%get3A_171, %get3A_172, %get3A_173] : memref<2x2024x384xf32, #tpu.memory_space<vmem>>, vector<1x2024x384xf32>
      %get3A_175 = vector.shape_cast %get3A_174 : vector<1x2024x384xf32> to vector<2024x384xf32>
      %dot_general3A_176 = arith.constant dense<0.000000e+00> : vector<512x384xf32>
      %dot_general3A_177 = tpu.matmul %get3A_170, %get3A_175, %dot_general3A_176 {dimension_numbers = #tpu.dot_dimension_numbers<[0], [0], [1], [1], [0, 1, 1, 1], [], []>, transpose_lhs_hint = false} : vector<2024x512xf32>, vector<2024x384xf32>, vector<512x384xf32> -> vector<512x384xf32>
      %get3A_178 = arith.constant 2024 : index
      %get3A_179 = arith.constant 0 : index
      %get3A_180 = vector.load %arg13[%get3A_178, %get3A_179] : memref<4048x512xf32, #tpu.memory_space<vmem>>, vector<2024x512xf32>
      %get3A_181 = arith.constant 1 : index
      %get3A_182 = arith.constant 0 : index
      %get3A_183 = arith.constant 0 : index
      %get3A_184 = vector.load %arg14[%get3A_181, %get3A_182, %get3A_183] : memref<2x2024x384xf32, #tpu.memory_space<vmem>>, vector<1x2024x384xf32>
      %get3A_185 = vector.shape_cast %get3A_184 : vector<1x2024x384xf32> to vector<2024x384xf32>
      %dot_general3A_186 = arith.constant dense<0.000000e+00> : vector<512x384xf32>
      %dot_general3A_187 = tpu.matmul %get3A_180, %get3A_185, %dot_general3A_186 {dimension_numbers = #tpu.dot_dimension_numbers<[0], [0], [1], [1], [0, 1, 1, 1], [], []>, transpose_lhs_hint = false} : vector<2024x512xf32>, vector<2024x384xf32>, vector<512x384xf32> -> vector<512x384xf32>
      %add3A_188 = arith.addf %dot_general3A_177, %dot_general3A_187 : vector<512x384xf32>
      %get3A_189 = arith.constant 0 : index
      %get3A_190 = vector.load %arg15[%get3A_189] : memref<384xf32, #tpu.memory_space<vmem>>, vector<384xf32>
      %broadcast_in_dim3A_191 = vector.shape_cast %get3A_190 : vector<384xf32> to vector<1x384xf32>
      %add3A_192 = vector.broadcast %broadcast_in_dim3A_191 : vector<1x384xf32> to vector<512x384xf32>
      %add3A_193 = arith.addf %add3A_188, %add3A_192 : vector<512x384xf32>
      %swap3A_194 = arith.constant 0 : index
      %swap3A_195 = arith.constant 0 : index
      %swap3A_196 = vector.load %arg9[%swap3A_194, %swap3A_195] : memref<512x384xf32, #tpu.memory_space<vmem>>, vector<512x384xf32>
      tpu.vector_store %arg9[%swap3A_194, %swap3A_195], %add3A_193 {strides = array<i32>} : memref<512x384xf32, #tpu.memory_space<vmem>>, vector<512x384xf32>,
    } else {
    }
    return
  }
  func.func @transform_6(%arg0: i32) -> i32 {
    %c0_i32 = arith.constant 0 : i32
    return %arg0 : i32
  }
  func.func @transform_7(%arg0: i32) -> (i32, i32) {
    %c0_i32 = arith.constant 0 : i32
    %c0_i32_0 = arith.constant 0 : i32
    %c0_i32_1 = arith.constant 0 : i32
    return %c0_i32, %c0_i32_0 : i32, i32
  }
  func.func @transform_8(%arg0: i32) -> (i32, i32) {
    %c0_i32 = arith.constant 0 : i32
    %c0_i32_0 = arith.constant 0 : i32
    %c0_i32_1 = arith.constant 0 : i32
    return %c0_i32, %c0_i32_0 : i32, i32
  }
}

</mosaic_0001>

<sc_bundles>
// kernel: kernel.4.cloned.1.call-start
scs
__scs_entry_jumppad:
0x0: {  	(pc) =	sbr.rel $0x88, $3  }
0x1: {  	(tag) =	ssettag $0x0;
	lr =	simm.s32 $0x1  }
0x2: {  	[smem:$0x3F9B] =	sst lr;
	_ =	strace $0xD0000000  }
0x3: {  	_ = 	snop  }
0x4: {  	_ = 	snop  }
0x5: {  	_ = 	snop  }
0x6: {  	_ = 	snop  }
0x7: {  	_ = 	snop  }
__scs_overlays_trampoline_lowered:
0x8: {  	[smem:$0x3FAA] =	sst s0  }
0x9: {  	[smem:$0x3FAB] =	sst s1  }
0xa: {  	[smem:$0x3FAC] =	sst s2  }
0xb: {  	[smem:$0x3FAD] =	sst s3  }
0xc: {  	[smem:$0x3FAE] =	sst s4  }
0xd: {  	[smem:$0x3FAF] =	sst s5  }
0xe: {  	[smem:$0x3FB0] =	sst s6  }
0xf: {  	[smem:$0x3FB1] =	sst s7  }
0x10: {  	[smem:$0x3FB2] =	sst s8  }
0x11: {  	[smem:$0x3FB3] =	sst s9;
	s0 =	simm.s32 @!p0 $0x0  }
0x12: {  	s1 =	sld [smem:$0x3F99];
	s0 =	simm.s32 @p0 $0x1  }
0x13: {  	[smem:$0x3FB4] =	sst s0;
	s0 =	simm.s32 @!p1 $0x0  }
0x14: {  	s2 =	sld [smem:$0x3F98];
	s0 =	simm.s32 @p1 $0x1  }
0x15: {  	[smem:$0x3FB5] =	sst s0;
	s0 =	simm.s32 @!p2 $0x0  }
0x16: {  	s3 =	sld [smem:$0x3FDB];
	s0 =	simm.s32 @p2 $0x1  }
0x17: {  	s4 =	simm.s32 $0x1BF5;
	[smem:$0x3FB7] =	sst s0  }
0x18: {  	s0 =	sld [smem:$0x3F9A];
	_ =	swait.ge [sflag:s4], $0x0  }
0x19: {  	s7 =	sld [smem:$0x3F9B]  }
0x1a: {  	s8 =	sadd.s32 $0xFFFFE003, lr  }
0x1b: {  	s9 =	sadd.s32 $0xFFFFFEF7, lr;
	s5 =	simm.s32 $0xFFFFFFFF;
	p2 =	slt.u32 s8, $0xFFFFF086  }
0x1c: {  	p1 =	slt.u32 s9, $0xF7A;
	s5 =	simm.s32 @!p2 $0x0  }
0x1d: {  	s5 =	simm.s32 @p1 $0x1;
	p0 =	seq.s32 s7, s2  }
0x1e: {  	s7 =	smul.u32 @!p0 $0xF7A, s2;
	p2 =	seq.s32 @!p0 s5, $0x0  }
0x1f: {  	s9 =	smul.u32 $0xF7A, s1;
	s8 =	simm.s32 @!p0 $0x1BF5;
	p2 =	por !p2, p0  }
0x20: {  	[sflag:s8] =	ssyncset.s32 @!p0 $0xFFFFF086;
	s6 =	sadd.s32 @!p0 s3, s7;
	s7 =	simm.s32 @!p0 $0x108  }
0x21: {  	s3 =	sadd.s32 s3, s9;
	s6 =	sadd.s32 @!p0 $0x88, s6;
	s7 =	simm.s32 @p2 $0x1082  }
0x22: {  	[simem:s7], [sflag:s8] =	dma.local @!p0 [hbm:s6], $0xF7A  }
0x23: {  	s9 =	sor.u32 $0xD0000000, s2;
	s6 =	simm.s32 $0x108;
	_ =	swait.ge @!p0 [sflag:s8], $0x0  }
0x24: {  	s3 =	sadd.s32 $0x88, s3;
	s6 =	simm.s32 @!p1 $0x1082;
	[sflag:s4] =	ssyncset.s32 $0xFFFFF086  }
0x25: {  	[simem:s6], [sflag:s4] =	dma.local [hbm:s3], $0xF7A  }
0x26: {  	[smem:$0x3F9B] =	sst s1;
	(tag) =	ssettag s2;
	_ =	strace s9  }
0x27: {  	s1 =	sld [smem:$0x3FAB]  }
0x28: {  	s2 =	sld [smem:$0x3FAC]  }
0x29: {  	s4 =	sld [smem:$0x3FAE]  }
0x2a: {  	p0 =	seq.s32 s5, $0x0;
	s5 =	sld [smem:$0x3FAF]  }
0x2b: {  	s6 =	sld [smem:$0x3FB0]  }
0x2c: {  	s7 =	sld [smem:$0x3FB1]  }
0x2d: {  	s3 =	simm.s32 $0x108;
	s8 =	sld [smem:$0x3FB2]  }
0x2e: {  	s3 =	simm.s32 @!p0 $0x1082;
	s9 =	sld [smem:$0x3FB3]  }
0x2f: {  	lr =	sadd.s32 s0, s3;
	s0 =	sld [smem:$0x3FAA]  }
0x30: {  	s3 =	sld [smem:$0x3FAD]  }
0x31: {  	[smem:$0x3FB6] =	sst s10  }
0x32: {  	s10 =	sld [smem:$0x3FB4];
	_ =	sdelay $0x3  }
0x33: {  	p0 =	seq.s32 s10, $0x1;
	s10 =	sld [smem:$0x3FB6];
	_ =	sdelay $0x3  }
0x34: {  	[smem:$0x3FB6] =	sst s10  }
0x35: {  	s10 =	sld [smem:$0x3FB5];
	_ =	sdelay $0x3  }
0x36: {  	p1 =	seq.s32 s10, $0x1;
	s10 =	sld [smem:$0x3FB6];
	_ =	sdelay $0x3  }
0x37: {  	[smem:$0x3FB6] =	sst s10  }
0x38: {  	s10 =	sld [smem:$0x3FB7]  }
0x39: {  	_ = 	snop;
	(pc) =	sbr.ind lr, $3  }
0x3a: {  	_ = 	snop  }
0x3b: {  	_ = 	snop  }
0x3c: {  	p2 =	seq.s32 s10, $0x1;
	s10 =	sld [smem:$0x3FB6]  }
0x3d: {  	_ =	shalt  }
0x3e: {  	_ =	shalt  }
0x3f: {  	_ =	shalt  }
0x40: {  	_ =	shalt  }
0x41: {  	_ =	shalt  }
0x42: {  	_ =	shalt  }
0x43: {  	_ =	shalt  }
0x44: {  	_ =	shalt  }
0x45: {  	_ =	shalt  }
0x46: {  	_ =	shalt  }
0x47: {  	_ =	shalt  }
0x48: {  	_ =	shalt  }
0x49: {  	_ =	shalt  }
0x4a: {  	_ =	shalt  }
0x4b: {  	_ =	shalt  }
0x4c: {  	_ =	shalt  }
0x4d: {  	_ =	shalt  }
0x4e: {  	_ =	shalt  }
0x4f: {  	_ =	shalt  }
0x50: {  	_ =	shalt  }
0x51: {  	_ =	shalt  }
0x52: {  	_ =	shalt  }
0x53: {  	_ =	shalt  }
0x54: {  	_ =	shalt  }
0x55: {  	_ =	shalt  }
0x56: {  	_ =	shalt  }
0x57: {  	_ =	shalt  }
0x58: {  	_ =	shalt  }
0x59: {  	_ =	shalt  }
0x5a: {  	_ =	shalt  }
0x5b: {  	_ =	shalt  }
0x5c: {  	_ =	shalt  }
0x5d: {  	_ =	shalt  }
0x5e: {  	_ =	shalt  }
0x5f: {  	_ =	shalt  }
0x60: {  	_ =	shalt  }
0x61: {  	_ =	shalt  }
0x62: {  	_ =	shalt  }
0x63: {  	_ =	shalt  }
0x64: {  	_ =	shalt  }
0x65: {  	_ =	shalt  }
0x66: {  	_ =	shalt  }
0x67: {  	_ =	shalt  }
0x68: {  	_ =	shalt  }
0x69: {  	_ =	shalt  }
0x6a: {  	_ =	shalt  }
0x6b: {  	_ =	shalt  }
0x6c: {  	_ =	shalt  }
0x6d: {  	_ =	shalt  }
0x6e: {  	_ =	shalt  }
0x6f: {  	_ =	shalt  }
0x70: {  	_ =	shalt  }
0x71: {  	_ =	shalt  }
0x72: {  	_ =	shalt  }
0x73: {  	_ =	shalt  }
0x74: {  	_ =	shalt  }
0x75: {  	_ =	shalt  }
0x76: {  	_ =	shalt  }
0x77: {  	_ =	shalt  }
0x78: {  	_ =	shalt  }
0x79: {  	_ =	shalt  }
0x7a: {  	_ =	shalt  }
0x7b: {  	_ =	shalt  }
0x7c: {  	_ =	shalt  }
0x7d: {  	_ =	shalt  }
0x7e: {  	_ =	shalt  }
0x7f: {  	_ =	shalt  }
0x80: {  	_ =	shalt  }
0x81: {  	_ =	shalt  }
0x82: {  	_ =	shalt  }
0x83: {  	_ =	shalt  }
0x84: {  	_ =	shalt  }
0x85: {  	_ =	shalt  }
0x86: {  	_ =	shalt  }
0x87: {  	_ =	shalt  }
.Lfunc_end0:
.L_simem_size_0:
called_computation_lowered:
.L_overlay_start_0:
0x88: {  	s2 =	sld [smem:$0x3FD9]  }
0x89: {  	s3 =	sld [smem:$0x3FFE];
	_ =	sdelay $0x1  }
0x8a: {  	s1 =	srdreg.scid  }
0x8b: {  	s0 =	sand.u32 $0x1, s1  }
0x8c: {  	s14 =	sshll.u32 s0, $0xA;
	s2 =	sadd.s32 s3, s2  }
0x8d: {  	s2 =	sadd.s32 s2, s14  }
0x8e: {  	[smem:$0x3FC2] =	sst s2  }
0x8f: {  	_ = 	snop  }
0x90: {  	s2 =	sld [smem:$0x3FD0];
	_ =	sdelay $0x2  }
0x91: {  	s15 =	simm.s32 $0xA;
	s4 =	simm.s32 $0x10  }
0x92: {  	[smem:s4], [sflag:s15] =	dma.local [hbm:s2], $0x1  }
0x93: {  	_ =	swait.eq [sflag:s15], $0x1  }
0x94: {  	[sflag:s15] =	ssyncset.done $0x0  }
0x95: {  	[sflag:s15] =	ssyncadd.s32 $0xFFFFFFFF  }
0x96: {  	s16 =	sld [smem:$0x10];
	(tm) =	ssettm $0x1  }
0x97: {  	s17 =	sld [smem:$0x3FFB];
	_ =	sdelay $0x3  }
0x98: {  	_ =	strace s17  }
0x99: {  	s3 =	sld [smem:$0x3FFC];
	_ =	sdelay $0x3  }
0x9a: {  	_ =	strace s3  }
0x9b: {  	s3 =	sld [smem:$0x3FFD];
	_ =	sdelay $0x3  }
0x9c: {  	_ =	strace s3  }
0x9d: {  	_ =	strace $0x8FFFFFFF  }
0x9e: {  	s18 =	sld [smem:$0x3FDB];
	_ =	sdelay $0x1  }
0x9f: {  	s19 =	simm.s32 $_scs_section_size  }
0xa0: {  	s5 =	simm.s32 $_size__tile_overlayer_lowered;
	s6 =	simm.s32 $_tile_overlayer_lowered  }
0xa1: {  	s22 =	simm.s32 $0x1BFF;
	s21 =	sshll.u32 s6, $0x1;
	s3 =	sadd.s32 s19, s18  }
0xa2: {  	s7 =	simm.s32 $0x0;
	s20 =	sshll.u32 s5, $0x1;
	s5 =	sadd.s32 s21, s3  }
0xa3: {  	[timem:s7], [sflag:s22] =	dma.local [hbm:s5], s20  }
0xa4: {  	_ =	swait.ge [sflag:s22], s20  }
0xa5: {  	s4 =	ssub.s32 $0x0, s20;
	[sflag:s22] =	ssyncset.done $0x0  }
0xa6: {  	[sflag:s22] =	ssyncadd.s32 s4;
	_ =	sdelay $0x1  }
0xa7: {  	s23 =	simm.s32 $0x1B8B  }
0xa8: {  	_ =	swait.ge [sflag:s23], $0x1  }
0xa9: {  	[sflag:s23] =	ssyncset.done $0x0  }
0xaa: {  	s25 =	simm.s32 $0x1B8E;
	s24 =	sld [smem:$0x3FFE];
	[sflag:s23] =	ssyncadd.s32 $0xFFFFFFFF  }
0xab: {  	s26 =	simm.s32 $execute0_lowered;
	[smem:$0x3FD2] =	sst s25  }
0xac: {  	s5 =	sshll.u32 s26, $0x1;
	_ =	strace $0x80000046;
	[dreg:$0x1] =	wrdreg $0xFFFFFFFF  }
0xad: {  	s28 =	simm.s32 $_size_execute0_lowered;
	s3 =	sadd.s32 s3, s5;
	[dreg:$0x0] =	wrdreg $0x0  }
0xae: {  	s5 =	sshll.u32 s28, $0x1;
	[dreg:$0x2] =	wrdreg s3  }
0xaf: {  	[dreg:$0x3] =	wrdreg s5  }
0xb0: {  	[dreg:$0x4] =	wrdreg $0xC0  }
0xb1: {  	_ =	task [dreg:s7], $0x5FFFF  }
0xb2: {  	[dreg:$0x1] =	wrdreg $0xFFFFFFFF  }
0xb3: {  	[dreg:$0x0] =	wrdreg $0x60  }
0xb4: {  	[dreg:$0x2] =	wrdreg s24  }
0xb5: {  	[dreg:$0x3] =	wrdreg s16  }
0xb6: {  	[dreg:$0x4] =	wrdreg $0x9  }
0xb7: {  	_ =	task.clear_ibuf [dreg:s7], $0x5FFFF;
	_ =	strace $0x90000046  }
0xb8: {  	s29 =	simm.s32 $0x9;
	_ =	strace $0x80000048  }
0xb9: {  	_ =	swait.ge [sflag:s29], $0x1  }
0xba: {  	[sflag:s29] =	ssyncadd.s32 $0xFFFFFFFF  }
0xbb: {  	_ =	strace $0x90000048  }
0xbc: {  	_ =	sfence  }
0xbd: {  	s30 =	sld [smem:$0x0];
	_ =	sdelay $0x2  }
0xbe: {  	s31 =	sshll.u32 s1, $0xD;
	s1 =	sshrl.u32 s1, $0x2  }
0xbf: {  	s3 =	sand.u32 $0x4000, s31;
	s1 =	sadd.s32 s1, s30  }
0xc0: {  	s0 =	sor.u32 s3, s0;
	s1 =	sshll.u32 s1, $0x11  }
0xc1: {  	s0 =	sor.u32 s1, s0  }
0xc2: {  	s0 =	sadd.s32 $0x8F2B, s0  }
0xc3: {  	[sflag:s0] =	ssyncadd.remote.s32 $0x1  }
0xc4: {  	_ =	sfence.sel $0xFFFF  }
0xc5: {  	[dreg:$0x0] =	wrdreg $0xFFFFFFFF;
	(pc) =	sbr.abs _section_cstart, $3  }
0xc6: {  	[dreg:$0x1] =	wrdreg $0xFFFFFFFF  }
0xc7: {  	_ =	task.clear_ibuf [dreg:s7], $0x2FFFF;
	_ =	strace $0x9FFFFFFF  }
0xc8: {  	(tm) =	ssettm $0x7FFFFFFF  }
0xc9: {  	_ =	shalt  }
tec
execute0_lowered:
.L_overlay_start_1:
0x0: {  	(tag) =	ssettag $0x1  }
0x1: {  	s1 =	srdreg.scid;
	s4 =	rddreg [dreg:$0x0]  }
0x2: {  	s0 =	stileid.u32;
	s3 =	rddreg [dreg:$0x1]  }
0x3: {  	s2 =	simm.s32 $0x0;
	s18 =	simm.s32 $0x880;
	s19 =	simm.s32 $0xC80  }
0x4: {  	s20 =	simm.s32 $0x1480;
	s21 =	simm.s32 $0x1880;
	s23 =	simm.s32 $0x2080  }
0x5: {  	s24 =	simm.s32 $0x2480;
	s25 =	simm.s32 $0x2C80;
	s26 =	simm.s32 $0x3080  }
0x6: {  	s7 =	simm.s32 $0x80;
	s9 =	simm.s32 $0x3C80;
	s10 =	simm.s32 $0x4480  }
0x7: {  	s11 =	simm.s32 $0x4880;
	s12 =	simm.s32 $0x5080;
	[smem:$0x7FF] =	sst s2  }
0x8: {  	s13 =	simm.s32 $0x5480;
	_ =	strace $0x80000047;
	[dreg:$0x5] =	wrdreg s18  }
0x9: {  	s14 =	simm.s32 $0x5C80;
	s15 =	simm.s32 $0x6080;
	[dreg:$0x6] =	wrdreg s19  }
0xa: {  	s16 =	simm.s32 $0x6880;
	s17 =	simm.s32 $0x6C80;
	[dreg:$0x7] =	wrdreg s20  }
0xb: {  	s28 =	simm.s32 $0xA880;
	s29 =	simm.s32 $0xB080;
	[dreg:$0x8] =	wrdreg s21  }
0xc: {  	s30 =	simm.s32 $0xB480;
	s31 =	simm.s32 $0xBC80;
	[dreg:$0x9] =	wrdreg s23  }
0xd: {  	s1 =	sand.u32 $0x1, s1;
	s5 =	sshll.u32 s0, $0x5;
	[dreg:$0xa] =	wrdreg s24  }
0xe: {  	s6 =	sshll.u32 s1, $0x4;
	s1 =	ssub.s32 $0x2, s1;
	[dreg:$0xb] =	wrdreg s25  }
0xf: {  	[dreg:$0xc] =	wrdreg s26;
	s18 =	simm.s32 $0x7480;
	s19 =	simm.s32 $0x7880  }
0x10: {  	s20 =	simm.s32 $0x8080;
	s21 =	simm.s32 $0x8480;
	s23 =	simm.s32 $0x9080  }
0x11: {  	s24 =	simm.s32 $0x9880;
	s25 =	simm.s32 $0x9C80;
	s5 =	sor.u32 s6, s5  }
0x12: {  	s22 =	sshrl.u32 s1, $0x1;
	s6 =	sadd.s32 s5, s4;
	s5 =	smul.u32 $0x180, s5  }
0x13: {  	s26 =	simm.s32 $0xA480;
	s1 =	ssub.s32 s1, s22;
	s6 =	sadd.s32 $0x7400, s6  }
0x14: {  	v2 =	vlaneseq.u32;
	s22 =	simm.s32 $0x8C80;
	[dreg:$0x3] =	wrdreg s6;
	s3 =	sadd.s32 s3, s5  }
0x15: {  	vm0 =	vmmov $0xffff;
	vm1 =	vmmov $0xff;
	v1 =	vshrl.u32 v2, $0x3;
	s5 =	smax.u32 s1, $0x1;
	s6 =	simm.s32 $0x2;
	s1 =	simm.s32 $0x1  }
0x16: {  	v0 =	vand.u32 $0x7, v2;
	v2 =	vor.u32 $0x8, v2;
	v1 =	vmul.u32 $0x8, v1;
	[dreg:$0x4] =	wrdreg s3;
	s3 =	sadd.s32 $0x1400, s4;
	s4 =	sadd.s32 $0x1500, s4  }
.LBB2_1:
0x17: {  	s0 =	rddreg [dreg:$0x3]  }
0x18: {  	[tilespmem:s2], [sflag:$0x2] =	stream.linear.gather [hbm4b:s0+s2], $0x80, $0x38;
	[tilespmem:$0xC080] =	vst v63  }
0x19: {  	_ =	swait.ge [sflag:s6], $0x80  }
0x1a: {  	[sflag:s6] =	ssyncset.done $0x0  }
0x1b: {  	[sflag:s6] =	ssyncadd.s32 $0xFFFFFF80  }
0x1c: {  	v3 =	vld [tilespmem:$0x0];
	_ =	sdelay $0x4  }
0x1d: {  	v4 =	vshrl.u32 v3, $0x3  }
0x1e: {  	v4 =	vmul.u32 $0x18, v4  }
0x1f: {  	v3 =	vand.u32 $0x7, v3  }
0x20: {  	v3 =	vor.u32 v3, v4  }
0x21: {  	v4 =	vperm.xlane v3, v0;
	_ =	sdelay $0x1  }
0x22: {  	v4 =	vadd.s32 v1, v4;
	_ =	sdelay $0x1  }
0x23: {  	v3 =	vperm.xlane v3, v2;
	_ =	sdelay $0x1  }
0x24: {  	v3 =	vadd.s32 v1, v3  }
0x25: {  	[tilespmem:s7], [sflag:$0x1] =	stream.indirect_vreg.gather [hbm4b:s3+s2], $0x80, v4, vm0, $0xb8;
	[tilespmem:$0xC080] =	vst v63  }
0x26: {  	s0 =	rddreg [dreg:$0x5]  }
0x27: {  	[tilespmem:s0], [sflag:$0x1] =	stream.indirect_vreg.gather [hbm4b:s4+s2], $0x80, v4, vm1, $0xb8;
	[tilespmem:$0xC080] =	vst v63  }
0x28: {  	s8 =	rddreg [dreg:$0x6]  }
0x29: {  	[tilespmem:s8], [sflag:$0x1] =	stream.indirect_vreg.gather [hbm4b:s3+s2], $0x80, v3, vm0, $0xb8;
	[tilespmem:$0xC080] =	vst v63  }
0x2a: {  	s0 =	rddreg [dreg:$0x7]  }
0x2b: {  	[tilespmem:s0], [sflag:$0x1] =	stream.indirect_vreg.gather [hbm4b:s4+s2], $0x80, v3, vm1, $0xb8;
	[tilespmem:$0xC080] =	vst v63  }
0x2c: {  	v3 =	vld [tilespmem:$0x10];
	_ =	sdelay $0x4  }
0x2d: {  	v57 =	vshrl.u32 v3, $0x3  }
0x2e: {  	v4 =	vmul.u32 $0x18, v57  }
0x2f: {  	v3 =	vand.u32 $0x7, v3  }
0x30: {  	v3 =	vor.u32 v3, v4  }
0x31: {  	v4 =	vperm.xlane v3, v0;
	_ =	sdelay $0x1  }
0x32: {  	v4 =	vadd.s32 v1, v4;
	_ =	sdelay $0x1  }
0x33: {  	v3 =	vperm.xlane v3, v2;
	_ =	sdelay $0x1  }
0x34: {  	s0 =	rddreg [dreg:$0x8];
	v3 =	vadd.s32 v1, v3  }
0x35: {  	[tilespmem:s0], [sflag:$0x1] =	stream.indirect_vreg.gather [hbm4b:s3+s2], $0x80, v4, vm0, $0xb8;
	[tilespmem:$0xC080] =	vst v63  }
0x36: {  	s8 =	rddreg [dreg:$0x9]  }
0x37: {  	[tilespmem:s8], [sflag:$0x1] =	stream.indirect_vreg.gather [hbm4b:s4+s2], $0x80, v4, vm1, $0xb8;
	[tilespmem:$0xC080] =	vst v63  }
0x38: {  	s0 =	rddreg [dreg:$0xa]  }
0x39: {  	[tilespmem:s0], [sflag:$0x1] =	stream.indirect_vreg.gather [hbm4b:s3+s2], $0x80, v3, vm0, $0xb8;
	[tilespmem:$0xC080] =	vst v63  }
0x3a: {  	s8 =	rddreg [dreg:$0xb]  }
0x3b: {  	[tilespmem:s8], [sflag:$0x1] =	stream.indirect_vreg.gather [hbm4b:s4+s2], $0x80, v3, vm1, $0xb8;
	[tilespmem:$0xC080] =	vst v63  }
0x3c: {  	v3 =	vld [tilespmem:$0x20];
	_ =	sdelay $0x4  }
0x3d: {  	v58 =	vshrl.u32 v3, $0x3  }
0x3e: {  	v4 =	vmul.u32 $0x18, v58  }
0x3f: {  	v3 =	vand.u32 $0x7, v3  }
0x40: {  	v3 =	vor.u32 v3, v4  }
0x41: {  	v4 =	vperm.xlane v3, v0;
	_ =	sdelay $0x1  }
0x42: {  	v4 =	vadd.s32 v1, v4;
	_ =	sdelay $0x1  }
0x43: {  	v3 =	vperm.xlane v3, v2;
	_ =	sdelay $0x1  }
0x44: {  	s8 =	rddreg [dreg:$0xc];
	v3 =	vadd.s32 v1, v3  }
0x45: {  	[tilespmem:s8], [sflag:$0x1] =	stream.indirect_vreg.gather [hbm4b:s3+s2], $0x80, v4, vm0, $0xb8;
	[tilespmem:$0xC080] =	vst v63  }
0x46: {  	s8 =	simm.s32 $0x3880  }
0x47: {  	[tilespmem:s8], [sflag:$0x1] =	stream.indirect_vreg.gather [hbm4b:s4+s2], $0x80, v4, vm1, $0xb8;
	[tilespmem:$0xC080] =	vst v63  }
0x48: {  	_ = 	snop  }
0x49: {  	[tilespmem:s9], [sflag:$0x1] =	stream.indirect_vreg.gather [hbm4b:s3+s2], $0x80, v3, vm0, $0xb8;
	[tilespmem:$0xC080] =	vst v63  }
0x4a: {  	_ = 	snop  }
0x4b: {  	[tilespmem:s10], [sflag:$0x1] =	stream.indirect_vreg.gather [hbm4b:s4+s2], $0x80, v3, vm1, $0xb8;
	[tilespmem:$0xC080] =	vst v63  }
0x4c: {  	v3 =	vld [tilespmem:$0x30];
	_ =	sdelay $0x4  }
0x4d: {  	v59 =	vshrl.u32 v3, $0x3  }
0x4e: {  	v4 =	vmul.u32 $0x18, v59  }
0x4f: {  	v3 =	vand.u32 $0x7, v3  }
0x50: {  	v3 =	vor.u32 v3, v4  }
0x51: {  	v4 =	vperm.xlane v3, v0;
	_ =	sdelay $0x1  }
0x52: {  	v4 =	vadd.s32 v1, v4;
	_ =	sdelay $0x1  }
0x53: {  	v3 =	vperm.xlane v3, v2;
	_ =	sdelay $0x1  }
0x54: {  	v3 =	vadd.s32 v1, v3  }
0x55: {  	[tilespmem:s11], [sflag:$0x1] =	stream.indirect_vreg.gather [hbm4b:s3+s2], $0x80, v4, vm0, $0xb8;
	[tilespmem:$0xC080] =	vst v63  }
0x56: {  	_ = 	snop  }
0x57: {  	[tilespmem:s12], [sflag:$0x1] =	stream.indirect_vreg.gather [hbm4b:s4+s2], $0x80, v4, vm1, $0xb8;
	[tilespmem:$0xC080] =	vst v63  }
0x58: {  	_ = 	snop  }
0x59: {  	[tilespmem:s13], [sflag:$0x1] =	stream.indirect_vreg.gather [hbm4b:s3+s2], $0x80, v3, vm0, $0xb8;
	[tilespmem:$0xC080] =	vst v63  }
0x5a: {  	_ = 	snop  }
0x5b: {  	[tilespmem:s14], [sflag:$0x1] =	stream.indirect_vreg.gather [hbm4b:s4+s2], $0x80, v3, vm1, $0xb8;
	[tilespmem:$0xC080] =	vst v63  }
0x5c: {  	v3 =	vld [tilespmem:$0x40];
	_ =	sdelay $0x4  }
0x5d: {  	v60 =	vshrl.u32 v3, $0x3  }
0x5e: {  	v4 =	vmul.u32 $0x18, v60  }
0x5f: {  	v3 =	vand.u32 $0x7, v3  }
0x60: {  	v3 =	vor.u32 v3, v4  }
0x61: {  	v4 =	vperm.xlane v3, v0;
	_ =	sdelay $0x1  }
0x62: {  	v4 =	vadd.s32 v1, v4;
	_ =	sdelay $0x1  }
0x63: {  	v3 =	vperm.xlane v3, v2;
	_ =	sdelay $0x1  }
0x64: {  	v3 =	vadd.s32 v1, v3  }
0x65: {  	[tilespmem:s15], [sflag:$0x1] =	stream.indirect_vreg.gather [hbm4b:s3+s2], $0x80, v4, vm0, $0xb8;
	[tilespmem:$0xC080] =	vst v63  }
0x66: {  	_ = 	snop  }
0x67: {  	[tilespmem:s16], [sflag:$0x1] =	stream.indirect_vreg.gather [hbm4b:s4+s2], $0x80, v4, vm1, $0xb8;
	[tilespmem:$0xC080] =	vst v63  }
0x68: {  	_ = 	snop  }
0x69: {  	[tilespmem:s17], [sflag:$0x1] =	stream.indirect_vreg.gather [hbm4b:s3+s2], $0x80, v3, vm0, $0xb8;
	[tilespmem:$0xC080] =	vst v63  }
0x6a: {  	_ = 	snop  }
0x6b: {  	[tilespmem:s18], [sflag:$0x1] =	stream.indirect_vreg.gather [hbm4b:s4+s2], $0x80, v3, vm1, $0xb8;
	[tilespmem:$0xC080] =	vst v63  }
0x6c: {  	v3 =	vld [tilespmem:$0x50];
	_ =	sdelay $0x4  }
0x6d: {  	v61 =	vshrl.u32 v3, $0x3  }
0x6e: {  	v4 =	vmul.u32 $0x18, v61  }
0x6f: {  	v3 =	vand.u32 $0x7, v3  }
0x70: {  	v3 =	vor.u32 v3, v4  }
0x71: {  	v4 =	vperm.xlane v3, v0;
	_ =	sdelay $0x1  }
0x72: {  	v4 =	vadd.s32 v1, v4;
	_ =	sdelay $0x1  }
0x73: {  	v3 =	vperm.xlane v3, v2;
	_ =	sdelay $0x1  }
0x74: {  	v3 =	vadd.s32 v1, v3  }
0x75: {  	[tilespmem:s19], [sflag:$0x1] =	stream.indirect_vreg.gather [hbm4b:s3+s2], $0x80, v4, vm0, $0xb8;
	[tilespmem:$0xC080] =	vst v63  }
0x76: {  	_ = 	snop  }
0x77: {  	[tilespmem:s20], [sflag:$0x1] =	stream.indirect_vreg.gather [hbm4b:s4+s2], $0x80, v4, vm1, $0xb8;
	[tilespmem:$0xC080] =	vst v63  }
0x78: {  	_ = 	snop  }
0x79: {  	[tilespmem:s21], [sflag:$0x1] =	stream.indirect_vreg.gather [hbm4b:s3+s2], $0x80, v3, vm0, $0xb8;
	[tilespmem:$0xC080] =	vst v63  }
0x7a: {  	_ = 	snop  }
0x7b: {  	[tilespmem:s22], [sflag:$0x1] =	stream.indirect_vreg.gather [hbm4b:s4+s2], $0x80, v3, vm1, $0xb8;
	[tilespmem:$0xC080] =	vst v63  }
0x7c: {  	v3 =	vld [tilespmem:$0x60];
	_ =	sdelay $0x4  }
0x7d: {  	v62 =	vshrl.u32 v3, $0x3  }
0x7e: {  	v4 =	vmul.u32 $0x18, v62  }
0x7f: {  	v3 =	vand.u32 $0x7, v3  }
0x80: {  	v3 =	vor.u32 v3, v4  }
0x81: {  	v4 =	vperm.xlane v3, v0;
	_ =	sdelay $0x1  }
0x82: {  	v4 =	vadd.s32 v1, v4;
	_ =	sdelay $0x1  }
0x83: {  	v3 =	vperm.xlane v3, v2;
	_ =	sdelay $0x1  }
0x84: {  	v3 =	vadd.s32 v1, v3  }
0x85: {  	[tilespmem:s23], [sflag:$0x1] =	stream.indirect_vreg.gather [hbm4b:s3+s2], $0x80, v4, vm0, $0xb8;
	[tilespmem:$0xC080] =	vst v63  }
0x86: {  	_ = 	snop  }
0x87: {  	[tilespmem:s24], [sflag:$0x1] =	stream.indirect_vreg.gather [hbm4b:s4+s2], $0x80, v4, vm1, $0xb8;
	[tilespmem:$0xC080] =	vst v63  }
0x88: {  	_ = 	snop  }
0x89: {  	[tilespmem:s25], [sflag:$0x1] =	stream.indirect_vreg.gather [hbm4b:s3+s2], $0x80, v3, vm0, $0xb8;
	[tilespmem:$0xC080] =	vst v63  }
0x8a: {  	_ = 	snop  }
0x8b: {  	[tilespmem:s26], [sflag:$0x1] =	stream.indirect_vreg.gather [hbm4b:s4+s2], $0x80, v3, vm1, $0xb8;
	[tilespmem:$0xC080] =	vst v63  }
0x8c: {  	v3 =	vld [tilespmem:$0x70];
	_ =	sdelay $0x4  }
0x8d: {  	v63 =	vshrl.u32 v3, $0x3  }
0x8e: {  	v4 =	vmul.u32 $0x18, v63  }
0x8f: {  	v3 =	vand.u32 $0x7, v3  }
0x90: {  	v3 =	vor.u32 v3, v4  }
0x91: {  	v4 =	vperm.xlane v3, v0;
	_ =	sdelay $0x1  }
0x92: {  	v4 =	vadd.s32 v1, v4;
	_ =	sdelay $0x1  }
0x93: {  	v3 =	vperm.xlane v3, v2;
	_ =	sdelay $0x1  }
0x94: {  	v3 =	vadd.s32 v1, v3  }
0x95: {  	[tilespmem:s28], [sflag:$0x1] =	stream.indirect_vreg.gather [hbm4b:s3+s2], $0x80, v4, vm0, $0xb8;
	[tilespmem:$0xC080] =	vst v63  }
0x96: {  	_ = 	snop  }
0x97: {  	[tilespmem:s29], [sflag:$0x1] =	stream.indirect_vreg.gather [hbm4b:s4+s2], $0x80, v4, vm1, $0xb8;
	[tilespmem:$0xC080] =	vst v63  }
0x98: {  	_ = 	snop  }
0x99: {  	[tilespmem:s30], [sflag:$0x1] =	stream.indirect_vreg.gather [hbm4b:s3+s2], $0x80, v3, vm0, $0xb8;
	[tilespmem:$0xC080] =	vst v63  }
0x9a: {  	_ = 	snop  }
0x9b: {  	[tilespmem:s31], [sflag:$0x1] =	stream.indirect_vreg.gather [hbm4b:s4+s2], $0x80, v3, vm1, $0xb8;
	[tilespmem:$0xC080] =	vst v63  }
0x9c: {  	_ =	swait.ge [sflag:s1], $0xC000  }
0x9d: {  	p0 =	sne.s32 s5, $0x1;
	[sflag:s1] =	ssyncset.done $0x0  }
.Ltmp0:
0x9e: {  	s8 =	rddreg [dreg:$0x4];
	[sflag:s1] =	ssyncadd.s32 $0xFFFF4000;
	(pc) =	sbr.rel @p0 .LBB2_1-.Ltmp0, $4  }
0x9f: {  	[hbm4b:s8+s2] =	stream.linear.scatter [tilespmem:s7], [sflag:$0x2], $0xC000, $0x38;
	[tilespmem:$0xC080] =	vst v63  }
0xa0: {  	_ =	swait.ge [sflag:s6], $0xC000  }
0xa1: {  	[sflag:s6] =	ssyncset.done $0x0  }
0xa2: {  	s5 =	sadd.s32 $0xFFFFFFFF, s5;
	[sflag:s6] =	ssyncadd.s32 $0xFFFF4000  }
0xa3: {  	_ =	sfence.sel $0x180000  }
0xa4: {  	[bflag:$0x0] =	sbarrier.arrive $0xFFFF  }
0xa5: {  	_ =	strace $0x90000047  }
0xa6: {  	s0 =	stileid.u32;
	[bflag:$0x2] =	sbarrier.arrive $0xFFFF  }
0xa7: {  	p0 =	sne.s32 s0, $0x0;
	s0 =	rddreg [dreg:$0x2]  }
0xa8: {  	s0 =	sadd.s32 @!p0 $0x100000, s0  }
0xa9: {  	[sflag:s0] =	ssyncadd.tile.s32 @!p0 $0x1;
	_ =	shalt  }
.Lfunc_end2:
_tile_overlayer_lowered:
.L_overlay_start_2:
0xaa: {  	(tag) =	ssettag $0x2  }
0xab: {  	s0 =	rddreg [dreg:$0x0];
	s2 =	stileid.u32  }
0xac: {  	s1 =	rddreg [dreg:$0x1];
	p0 =	sne.s32 s2, $0x0  }
0xad: {  	s3 =	rddreg [dreg:$0x2];
	[bflag:$0x3] =	sbarrier.arrive $0xFFFF;
	s2 =	simm.s32 @!p0 $0x1C02  }
0xae: {  	[timem:s3], [sflag:s2] =	dma.local @!p0 [hbm:s0], s1  }
0xaf: {  	s0 =	simm.s32 @!p0 $0x2  }
0xb0: {  	_ =	swait.ge @!p0 [sflag:s0], s1  }
0xb1: {  	s1 =	ssub.s32 @!p0 $0x0, s1;
	[sflag:s0] =	ssyncset.done @!p0 $0x0  }
0xb2: {  	[sflag:s0] =	ssyncadd.s32 @!p0 s1  }
0xb3: {  	[bflag:$0x3] =	sbarrier.arrive $0xFFFF  }
0xb4: {  	_ =	shalt  }

</sc_bundles>
